<compile_context>
chip_gen: v7x
topology: tpu7x:2x2x1
jax: 0.10.2.dev20260603
libtpu: 0.0.44.dev20260713+nightly
codegen_flags: <defaults>
</compile_context>

<pallas_src>
import functools

import jax
import jax.numpy as jnp
from jax import lax
from jax.experimental import pallas as pl
from jax.experimental.pallas import tpu as pltpu
from jax.experimental.pallas import tpu_sc as plsc

B = 64
N = 50000
C = 100000
L = 4
CONV = 0.001
INV_C = 1.0 / C

NT = 16
K = 112
NCH = 56
CP = K * NT * NCH
NTC = CP // K
ZC = 200
FK = 40


def _sc_call(t01, tbf, sx, w3, satidx, ones_h):
    mesh = plsc.VectorSubcoreMesh(core_axis_name="c", subcore_axis_name="s")
    f32 = jnp.float32
    bf16 = jnp.bfloat16

    scratch = [
        pltpu.VMEM_SHARED((N + 8, 32), bf16),
        pltpu.VMEM_SHARED((N + 8, 32), bf16),
        pltpu.VMEM_SHARED((N + 40,), f32),
        pltpu.VMEM((4 * K, 32), bf16),
        pltpu.VMEM((4 * K, 32), bf16),
        pltpu.VMEM((4 * K, 32), bf16),
        pltpu.VMEM((ZC + 8,), f32),
        pltpu.VMEM((4 * K,), f32),
        pltpu.VMEM((4 * K,), jnp.int32),
        pltpu.VMEM((4 * K,), jnp.int32),
        pltpu.VMEM((1, 32), f32),
        pltpu.VMEM((32,), f32),
        pltpu.VMEM((32,), jnp.int32),
        pltpu.VMEM((FK, 32), bf16),
        pltpu.VMEM((FK + 16,), f32),
        pltpu.VMEM((FK, 32), f32),
        pltpu.VMEM((FK, 32), f32),
        pltpu.SemaphoreType.DMA,
        pltpu.SemaphoreType.DMA,
    ]

    @functools.partial(
        pl.kernel,
        out_type=jax.ShapeDtypeStruct((2 * N, 32), f32),
        mesh=mesh,
        compiler_params=pltpu.CompilerParams(
            use_tc_tiling_on_sc=False, needs_layout_passes=False),
        scratch_types=scratch,
    )
    def body(t01_h, tbf_h, sx_h, w_h, satidx_h, ones_h_, out_h,
             t_sh, acc_sh, cnt_sh, rbuf0, rbuf1, act, zcnt_v, ones_v,
             sxv0, sxv1, wv, satv32, satidx_v, accv, cntv, tv, outv,
             sem_g0, sem_g1):
        rbuf = rbuf0
        rbufs = (rbuf0, rbuf1)
        sxvs = (sxv0, sxv1)
        sem_g = (sem_g0, sem_g1)
        c = lax.axis_index("c")
        s = lax.axis_index("s")
        z16 = jnp.zeros((16,), f32)
        zb32 = jnp.zeros((32,), bf16)

        def zf(k, _):
            act[k, pl.ds(0, 32)] = zb32
            return 0

        lax.fori_loop(0, 4 * K, zf, 0)

        def zf2(i, _):
            zcnt_v[pl.ds(i * 16, 16)] = z16
            return 0

        lax.fori_loop(0, (ZC + 8) // 16, zf2, 0)

        pltpu.sync_copy(ones_h_, ones_v)
        pltpu.sync_copy(w_h.at[c], wv)
        pltpu.sync_copy(satidx_h, satidx_v)

        NZC = N // ZC

        def zbody(j, _):
            m = s + j * NT
            pltpu.sync_copy(act.at[pl.ds(0, ZC)], acc_sh.at[pl.ds(m * ZC, ZC)])
            pltpu.sync_copy(zcnt_v.at[pl.ds(0, ZC)],
                            cnt_sh.at[pl.ds(m * ZC, ZC)])
            pltpu.sync_copy(tbf_h.at[pl.ds(c * N + m * ZC, ZC)],
                            rbuf.at[pl.ds(0, ZC)])
            pltpu.sync_copy(rbuf.at[pl.ds(0, ZC)], t_sh.at[pl.ds(m * ZC, ZC)])
            return 0

        nz_mine = jnp.where(s < NZC - (NZC // NT) * NT, NZC // NT + 1, NZC // NT)
        lax.fori_loop(0, nz_mine, zbody, 0)

        @pl.when(s == 0)
        def _():
            pltpu.sync_copy(act.at[pl.ds(0, 8)], acc_sh.at[pl.ds(N, 8)])
            pltpu.sync_copy(act.at[pl.ds(0, 8)], t_sh.at[pl.ds(N, 8)])
            pltpu.sync_copy(zcnt_v.at[pl.ds(0, 40)], cnt_sh.at[pl.ds(N, 40)])

        plsc.subcore_barrier()

        one_bf = jnp.ones((), bf16)
        zero_bf = jnp.zeros((), bf16)

        def compute_chunk(p, sa0, sa1):
            rb = rbufs[p]

            def kbody(k, kc):
                ka0, ka1 = kc
                sb = (rb[k, pl.ds(0, 32)] + rb[K + k, pl.ds(0, 32)]
                      + rb[2 * K + k, pl.ds(0, 32)]
                      + rb[3 * K + k, pl.ds(0, 32)])
                minv = jnp.minimum(sb, one_bf)
                u0, u1 = plsc.unpack(minv, format=plsc.PackFormat.INTERLEAVED)
                av = jnp.where(sb < one_bf, one_bf, zero_bf)
                for l in range(4):
                    act[l * K + k, pl.ds(0, 32)] = av
                return (ka0 + u0, ka1 + u1)

            return lax.fori_loop(0, K, kbody, (sa0, sa1), unroll=4)

        lb = s * NCH
        pltpu.sync_copy(sx_h.at[pl.ds(lb * 4 * K, 4 * K)], sxv0)
        pltpu.async_copy(t_sh.at[sxv0], rbuf0, sem_g0)

        def chunk_pair(j2, carry):
            sa0, sa1 = carry
            for p in range(2):
                m = 2 * j2 + p
                pltpu.make_async_copy(t_sh.at[sxvs[p]], rbufs[p],
                                      sem_g[p]).wait()

                @pl.when(m + 1 < NCH)
                def _(m=m, p=p):
                    pltpu.sync_copy(
                        sx_h.at[pl.ds((lb + m + 1) * 4 * K, 4 * K)],
                        sxvs[1 - p])
                    pltpu.async_copy(t_sh.at[sxvs[1 - p]], rbufs[1 - p],
                                     sem_g[1 - p])

                sa0, sa1 = compute_chunk(p, sa0, sa1)
                pltpu.sync_copy(act, acc_sh.at[sxvs[p]], add=True)
                pltpu.sync_copy(ones_v, cnt_sh.at[sxvs[p]], add=True)
            return sa0, sa1

        sa0, sa1 = lax.fori_loop(0, NCH // 2, chunk_pair, (z16, z16))

        satv32[pl.ds(0, 16)] = sa0
        satv32[pl.ds(16, 16)] = sa1
        pltpu.sync_copy(satv32, cnt_sh.at[satidx_v], add=True)
        plsc.subcore_barrier()
        pltpu.sync_copy(cnt_sh.at[pl.ds(N + 8, 32)], satv32)
        t0s = satv32[pl.ds(0, 16)]
        t1s = satv32[pl.ds(16, 16)]
        sat0 = t0s * INV_C
        sat1 = t1s * INV_C
        w0 = wv[0, pl.ds(0, 16)]
        w1 = wv[0, pl.ds(16, 16)]
        d0 = w0 - sat0
        d1 = w1 - sat1
        dsC0 = jnp.where(jnp.abs(d0) > CONV, d0, 0.0) * INV_C
        dsC1 = jnp.where(jnp.abs(d1) > CONV, d1, 0.0) * INV_C

        NRC = N // FK

        def fin(j, _):
            m = s + j * NT
            rn = m * FK
            pltpu.sync_copy(acc_sh.at[pl.ds(rn, FK)], accv)
            pltpu.sync_copy(cnt_sh.at[pl.ds(rn, FK)], cntv.at[pl.ds(0, FK)])
            pltpu.sync_copy(t01_h.at[pl.ds(c * N + rn, FK)], tv)

            def fb(i, __):
                cwin = cntv[pl.ds(i, 16)]
                cv = jnp.full((16,), cwin[0], f32)
                recip = 1.0 / jnp.maximum(cv, 1.0)
                u0, u1 = plsc.unpack(accv[i, pl.ds(0, 32)],
                                     format=plsc.PackFormat.INTERLEAVED)
                o0 = tv[i, pl.ds(0, 16)] + u0 * dsC0 * recip
                o1 = tv[i, pl.ds(16, 16)] + u1 * dsC1 * recip
                outv[i, pl.ds(0, 16)] = jnp.minimum(jnp.maximum(o0, 0.0), 1.0)
                outv[i, pl.ds(16, 16)] = jnp.minimum(jnp.maximum(o1, 0.0), 1.0)
                return 0

            lax.fori_loop(0, FK, fb, 0)
            pltpu.sync_copy(outv, out_h.at[pl.ds(c * N + rn, FK)])
            return 0

        nrc_mine = jnp.where(s < NRC - (NRC // NT) * NT, NRC // NT + 1, NRC // NT)
        lax.fori_loop(0, nrc_mine, fin, 0)

    return body(t01, tbf, sx, w3, satidx, ones_h)


def kernel(initial_t, w, clause_idx):
    f32 = jnp.float32
    bf16 = jnp.bfloat16
    t3 = initial_t.reshape(2, 32, N).transpose(0, 2, 1).reshape(2 * N, 32)
    t01 = jnp.concatenate([t3, jnp.zeros((8, 32), f32)], axis=0)
    tbf = t01.reshape(2 * N + 8, 2, 16).transpose(0, 2, 1).reshape(
        2 * N + 8, 32).astype(bf16)

    cidx = clause_idx.astype(jnp.int32)
    padv = jnp.zeros((CP - C, L), jnp.int32)
    cip = jnp.concatenate([cidx, padv], axis=0)
    is_pad = (jnp.arange(CP, dtype=jnp.int32) >= C)[:, None]
    spread = (jnp.arange(CP, dtype=jnp.int32) % 8)[:, None]
    sx = jnp.where(is_pad, N + spread, cip).reshape(
        NTC, K, L).transpose(0, 2, 1).reshape(-1)

    ones512 = jnp.ones((4 * K,), f32)
    w3 = w.astype(f32).reshape(2, 1, 32)
    satidx = N + 8 + jnp.arange(32, dtype=jnp.int32)

    out01 = _sc_call(t01, tbf, sx, w3, satidx, ones512)
    new_t = out01.reshape(2, N, 32).transpose(0, 2, 1).reshape(B, N)
    return jnp.stack([initial_t, new_t])

# --- scband reference (transcript-rebuilt; emitter-appended) ---
"""Pipeline reference for scband-lrl-13331578487445 (READ-ONLY COPY).

The authoritative reference and input builder live on the scoring server;
editing this copy changes nothing except your own understanding.
"""

import jax, jax.numpy as jnp
import numpy as np

B = 64
N = 50000
C = 100000
L = 4
MAX_ITERATIONS = 3
SCHEDULE = 1.0
CONV = 0.001


def setup_inputs(seed: int = 0) -> dict:
    key = jax.random.key(seed)
    k1, k2, k3 = jax.random.split(key, 3)
    initial_t = jax.random.uniform(k1, (B, N), dtype=jnp.float32)
    w = jax.random.uniform(k2, (B,), dtype=jnp.float32)
    clause_idx = jax.random.randint(k3, (C, L), 0, N, dtype=jnp.int32)
    return {"initial_t": initial_t, "w": w, "clause_idx": clause_idx}


def _formula_forward(t, clause_idx):
    # Lukasiewicz CNF: clause sat = min(1, sum of literal truth values); formula sat = mean over clauses
    lit = t[:, clause_idx]                      # gather -> [B, C, L]
    clause_sat = jnp.minimum(1.0, lit.sum(-1))  # [B, C]
    return clause_sat.mean(-1)                  # [B]


def _formula_delta(t, clause_idx, delta_sat):
    # manual backward: push satisfaction delta to literals, then scatter-mean into propositions
    lit = t[:, clause_idx]                      # [B, C, L]
    s = lit.sum(-1)                             # [B, C]
    active = (s < 1.0).astype(jnp.float32)      # d min(1,s)/ds
    per_clause = (delta_sat[:, None] / C) * active          # [B, C]
    per_lit = jnp.broadcast_to(per_clause[:, :, None], (t.shape[0], C, L))  # [B, C, L]
    flat_idx = clause_idx.reshape(-1)
    n = t.shape[1]
    sums = jax.vmap(lambda d: jnp.zeros((n,), jnp.float32).at[flat_idx].add(d.reshape(-1)))(per_lit)
    counts = jnp.zeros((n,), jnp.float32).at[flat_idx].add(1.0)
    return sums / jnp.maximum(counts, 1.0)      # 'mean' method, [B, N]


def reference(initial_t, w, clause_idx):
    truth_values = initial_t
    prev_satisfaction = w
    satisfaction = _formula_forward(truth_values, clause_idx)
    condition = jnp.abs(prev_satisfaction - satisfaction) > CONV
    active = jnp.sum(condition.astype(jnp.int32)) > 0
    ignore_mask = jnp.abs(w - satisfaction) > CONV
    delta_sat = jnp.where(ignore_mask, (w - satisfaction) * SCHEDULE, 0.0)
    delta_tensor = _formula_delta(truth_values, clause_idx, delta_sat)
    delta_tensor = jnp.where(ignore_mask[:, None], delta_tensor, 0.0)
    delta_tensor = jnp.where(active, delta_tensor, 0.0)
    truth_values = jnp.clip(truth_values + delta_tensor, 0.0, 1.0)
    return jnp.stack([initial_t, truth_values])

if __name__ == "__main__":
    import jax
    _d = setup_inputs()
    print(jax.jit(kernel)(*tuple(_d.values())))

</pallas_src>

<mosaic_0001>
#map = affine_map<(d0, d1) -> (0, 0)>
#map1 = affine_map<(d0, d1) -> (0)>
#map2 = affine_map<(d0, d1) -> (0, 0, 0)>
module attributes {stable_mosaic.version = 14 : i64} {
  func.func @body(%arg0: i32, %arg1: i32, %arg2: memref<100008x32xf32, #tpu.memory_space<hbm>>, %arg3: memref<100008x32xbf16, #tpu.memory_space<hbm>>, %arg4: memref<401408xi32, #tpu.memory_space<hbm>>, %arg5: memref<2x1x32xf32, #tpu.memory_space<hbm>>, %arg6: memref<32xi32, #tpu.memory_space<hbm>>, %arg7: memref<448xf32, #tpu.memory_space<hbm>>, %arg8: memref<100000x32xf32, #tpu.memory_space<hbm>>, %arg9: memref<50008x32xbf16, #tpu.memory_space<vmem_shared>>, %arg10: memref<50008x32xbf16, #tpu.memory_space<vmem_shared>>, %arg11: memref<50040xf32, #tpu.memory_space<vmem_shared>>, %arg12: memref<448x32xbf16, #tpu.memory_space<vmem>>, %arg13: memref<448x32xbf16, #tpu.memory_space<vmem>>, %arg14: memref<448x32xbf16, #tpu.memory_space<vmem>>, %arg15: memref<208xf32, #tpu.memory_space<vmem>>, %arg16: memref<448xf32, #tpu.memory_space<vmem>>, %arg17: memref<448xi32, #tpu.memory_space<vmem>>, %arg18: memref<448xi32, #tpu.memory_space<vmem>>, %arg19: memref<1x32xf32, #tpu.memory_space<vmem>>, %arg20: memref<32xf32, #tpu.memory_space<vmem>>, %arg21: memref<32xi32, #tpu.memory_space<vmem>>, %arg22: memref<40x32xbf16, #tpu.memory_space<vmem>>, %arg23: memref<56xf32, #tpu.memory_space<vmem>>, %arg24: memref<40x32xf32, #tpu.memory_space<vmem>>, %arg25: memref<40x32xf32, #tpu.memory_space<vmem>>, %arg26: memref<!tpu.dma_semaphore, #tpu.memory_space<semaphore_mem>>, %arg27: memref<!tpu.dma_semaphore, #tpu.memory_space<semaphore_mem>>) attributes {dimension_semantics = [#tpu.dimension_semantics<core_parallel>, #tpu.dimension_semantics<subcore_parallel>], iteration_bounds = array<i64: 2, 16>, scalar_prefetch = 0 : i64, scratch_operands = 19 : i64, tpu.core_type = #tpu.core_type<sc_vector_subcore>, window_params = [{transform_indices = #map}, {transform_indices = #map}, {transform_indices = #map1}, {transform_indices = #map2}, {transform_indices = #map1}, {transform_indices = #map1}, {transform_indices = #map}]} {
    %broadcast_in_dim3A = arith.constant 0.000000e+00 : f32
    %broadcast_in_dim3A_0 = vector.broadcast %broadcast_in_dim3A : f32 to vector<16xf32>
    %broadcast_in_dim3A_1 = arith.constant 0.000000e+00 : bf16
    %broadcast_in_dim3A_2 = vector.broadcast %broadcast_in_dim3A_1 : bf16 to vector<32xbf16>
    %scan3A = arith.constant 0 : i32
    %scan3A_3 = arith.constant 0 : i32
    %scan3A_4 = arith.constant 448 : i32
    %scan3A_5 = arith.addi %scan3A_3, %scan3A_4 : i32
    %scan3A_6 = arith.constant 1 : i32
    %scan3A_7 = scf.for %scan3A_103 = %scan3A_3 to %scan3A_5 step %scan3A_6 iter_args(%scan3A_104 = %scan3A) -> (i32)  : i32 {
      %swap3A_105 = arith.index_cast %scan3A_103 : i32 to index
      %swap3A_106 = arith.constant 0 : index
      %swap3A_107 = tpu.vector_load %arg14[%swap3A_105, %swap3A_106] {strides = array<i32>} : memref<448x32xbf16, #tpu.memory_space<vmem>>, vector<32xbf16>,
      tpu.vector_store %arg14[%swap3A_105, %swap3A_106], %broadcast_in_dim3A_2 {strides = array<i32>} : memref<448x32xbf16, #tpu.memory_space<vmem>>, vector<32xbf16>,
      %scan3A_108 = arith.constant 0 : i32
      scf.yield %scan3A_108 : i32
    }
    %scan3A_8 = arith.constant 448 : i32
    %scan3A_9 = arith.constant 0 : i32
    %scan3A_10 = arith.constant 0 : i32
    %scan3A_11 = arith.constant 13 : i32
    %scan3A_12 = arith.addi %scan3A_10, %scan3A_11 : i32
    %scan3A_13 = arith.constant 1 : i32
    %scan3A_14 = scf.for %scan3A_103 = %scan3A_10 to %scan3A_12 step %scan3A_13 iter_args(%scan3A_104 = %scan3A_9) -> (i32)  : i32 {
      %mul3A_105 = arith.constant 16 : i32
      %mul3A_106 = arith.muli %scan3A_103, %mul3A_105 : i32
      %swap3A_107 = arith.index_cast %mul3A_106 : i32 to index
      %swap3A_108 = tpu.vector_load %arg15[%swap3A_107] {strides = array<i32>} : memref<208xf32, #tpu.memory_space<vmem>>, vector<16xf32>,
      tpu.vector_store %arg15[%swap3A_107], %broadcast_in_dim3A_0 {strides = array<i32>} : memref<208xf32, #tpu.memory_space<vmem>>, vector<16xf32>,
      %scan3A_109 = arith.constant 0 : i32
      scf.yield %scan3A_109 : i32
    }
    %scan3A_15 = arith.constant 13 : i32
    "tpu.region"() ({
      %run_scoped3A = tpu.sem_alloc : memref<!tpu.dma_semaphore, #tpu.memory_space<semaphore_mem>>
      tpu.enqueue_dma source(%arg7 : memref<448xf32, #tpu.memory_space<hbm>>) target(%arg16 : memref<448xf32, #tpu.memory_space<vmem>>) target_semaphore(%run_scoped3A : memref<!tpu.dma_semaphore, #tpu.memory_space<semaphore_mem>>)
      tpu.wait_dma2 semaphore(%run_scoped3A : memref<!tpu.dma_semaphore, #tpu.memory_space<semaphore_mem>>) src(%arg7 : memref<448xf32, #tpu.memory_space<hbm>>) dst(%arg16 : memref<448xf32, #tpu.memory_space<vmem>>)
      tpu.yield
    }) : () -> ()
    "tpu.region"() ({
      %run_scoped3A = tpu.sem_alloc : memref<!tpu.dma_semaphore, #tpu.memory_space<semaphore_mem>>
      %dma_start3A_103 = arith.constant 0 : i32
      %dma_start3A_104 = arith.constant 0 : i32
      %dma_start3A_105 = tpu.memref_slice %arg5[%arg0, %dma_start3A_103, %dma_start3A_104] : memref<2x1x32xf32, #tpu.memory_space<hbm>> -> memref<1x1x32xf32, #tpu.memory_space<hbm>>
      %dma_start3A_106 = tpu.memref_squeeze %dma_start3A_105 : memref<1x1x32xf32, #tpu.memory_space<hbm>> -> memref<1x32xf32, #tpu.memory_space<hbm>>
      %dma_start3A_107 = arith.constant 0 : i32
      %dma_start3A_108 = arith.constant 0 : i32
      %dma_start3A_109 = tpu.memref_slice %arg5[%arg0, %dma_start3A_107, %dma_start3A_108] : memref<2x1x32xf32, #tpu.memory_space<hbm>> -> memref<1x1x32xf32, #tpu.memory_space<hbm>>
      %dma_start3A_110 = tpu.memref_squeeze %dma_start3A_109 : memref<1x1x32xf32, #tpu.memory_space<hbm>> -> memref<1x32xf32, #tpu.memory_space<hbm>>
      tpu.enqueue_dma source(%dma_start3A_110 : memref<1x32xf32, #tpu.memory_space<hbm>>) target(%arg19 : memref<1x32xf32, #tpu.memory_space<vmem>>) target_semaphore(%run_scoped3A : memref<!tpu.dma_semaphore, #tpu.memory_space<semaphore_mem>>)
      %dma_wait3A = arith.constant 0 : i32
      %dma_wait3A_111 = arith.constant 0 : i32
      %dma_wait3A_112 = tpu.memref_slice %arg5[%arg0, %dma_wait3A, %dma_wait3A_111] : memref<2x1x32xf32, #tpu.memory_space<hbm>> -> memref<1x1x32xf32, #tpu.memory_space<hbm>>
      %dma_wait3A_113 = tpu.memref_squeeze %dma_wait3A_112 : memref<1x1x32xf32, #tpu.memory_space<hbm>> -> memref<1x32xf32, #tpu.memory_space<hbm>>
      %dma_wait3A_114 = arith.constant 0 : i32
      %dma_wait3A_115 = arith.constant 0 : i32
      %dma_wait3A_116 = tpu.memref_slice %arg5[%arg0, %dma_wait3A_114, %dma_wait3A_115] : memref<2x1x32xf32, #tpu.memory_space<hbm>> -> memref<1x1x32xf32, #tpu.memory_space<hbm>>
      %dma_wait3A_117 = tpu.memref_squeeze %dma_wait3A_116 : memref<1x1x32xf32, #tpu.memory_space<hbm>> -> memref<1x32xf32, #tpu.memory_space<hbm>>
      tpu.wait_dma2 semaphore(%run_scoped3A : memref<!tpu.dma_semaphore, #tpu.memory_space<semaphore_mem>>) src(%dma_wait3A_117 : memref<1x32xf32, #tpu.memory_space<hbm>>) dst(%arg19 : memref<1x32xf32, #tpu.memory_space<vmem>>)
      tpu.yield
    }) : () -> ()
    "tpu.region"() ({
      %run_scoped3A = tpu.sem_alloc : memref<!tpu.dma_semaphore, #tpu.memory_space<semaphore_mem>>
      tpu.enqueue_dma source(%arg6 : memref<32xi32, #tpu.memory_space<hbm>>) target(%arg21 : memref<32xi32, #tpu.memory_space<vmem>>) target_semaphore(%run_scoped3A : memref<!tpu.dma_semaphore, #tpu.memory_space<semaphore_mem>>)
      tpu.wait_dma2 semaphore(%run_scoped3A : memref<!tpu.dma_semaphore, #tpu.memory_space<semaphore_mem>>) src(%arg6 : memref<32xi32, #tpu.memory_space<hbm>>) dst(%arg21 : memref<32xi32, #tpu.memory_space<vmem>>)
      tpu.yield
    }) : () -> ()
    %lt3A = arith.constant 10 : i32
    %lt3A_16 = arith.cmpi slt, %arg1, %lt3A : i32
    %jit3A = arith.constant 16 : i32
    %jit3A_17 = arith.constant 15 : i32
    %select_n3A = arith.select %lt3A_16, %jit3A, %jit3A_17 : i32
    %while3A = arith.constant 0 : i32
    %while3A_18 = arith.constant 0 : i32
    %while3A_19 = arith.subi %select_n3A, %while3A : i32
    %while3A_20 = arith.addi %while3A, %while3A_19 : i32
    %while3A_21 = arith.constant 1 : i32
    %while3A_22 = arith.divsi %while3A_19, %while3A_21 : i32
    %while3A_23 = arith.muli %while3A_22, %while3A_21 : i32
    %while3A_24 = arith.addi %while3A, %while3A_23 : i32
    %while3A_25 = arith.constant 1 : i32
    %while3A_26 = scf.for %while3A_103 = %while3A to %while3A_24 step %while3A_25 iter_args(%while3A_104 = %while3A_18) -> (i32)  : i32 {
      %mul3A_105 = arith.constant 16 : i32
      %mul3A_106 = arith.muli %while3A_103, %mul3A_105 : i32
      %add3A = arith.addi %arg1, %mul3A_106 : i32
      %mul3A_107 = arith.constant 200 : i32
      %mul3A_108 = arith.muli %add3A, %mul3A_107 : i32
      "tpu.region"() ({
        %run_scoped3A = tpu.sem_alloc : memref<!tpu.dma_semaphore, #tpu.memory_space<semaphore_mem>>
        %dma_start3A_119 = arith.constant 0 : i32
        %dma_start3A_120 = arith.constant 0 : i32
        %dma_start3A_121 = tpu.memref_slice %arg14[%dma_start3A_119, %dma_start3A_120] : memref<448x32xbf16, #tpu.memory_space<vmem>> -> memref<200x32xbf16, #tpu.memory_space<vmem>>
        %dma_start3A_122 = arith.constant 0 : i32
        %dma_start3A_123 = tpu.memref_slice %arg10[%mul3A_108, %dma_start3A_122] : memref<50008x32xbf16, #tpu.memory_space<vmem_shared>> -> memref<200x32xbf16, #tpu.memory_space<vmem_shared>>
        %dma_start3A_124 = arith.constant 0 : i32
        %dma_start3A_125 = tpu.memref_slice %arg10[%mul3A_108, %dma_start3A_124] : memref<50008x32xbf16, #tpu.memory_space<vmem_shared>> -> memref<200x32xbf16, #tpu.memory_space<vmem_shared>>
        %dma_start3A_126 = arith.constant 0 : i32
        %dma_start3A_127 = arith.constant 0 : i32
        %dma_start3A_128 = tpu.memref_slice %arg14[%dma_start3A_126, %dma_start3A_127] : memref<448x32xbf16, #tpu.memory_space<vmem>> -> memref<200x32xbf16, #tpu.memory_space<vmem>>
        tpu.enqueue_dma source(%dma_start3A_128 : memref<200x32xbf16, #tpu.memory_space<vmem>>) target(%dma_start3A_125 : memref<200x32xbf16, #tpu.memory_space<vmem_shared>>) target_semaphore(%run_scoped3A : memref<!tpu.dma_semaphore, #tpu.memory_space<semaphore_mem>>)
        %dma_wait3A = arith.constant 0 : i32
        %dma_wait3A_129 = arith.constant 0 : i32
        %dma_wait3A_130 = tpu.memref_slice %arg14[%dma_wait3A, %dma_wait3A_129] : memref<448x32xbf16, #tpu.memory_space<vmem>> -> memref<200x32xbf16, #tpu.memory_space<vmem>>
        %dma_wait3A_131 = arith.constant 0 : i32
        %dma_wait3A_132 = tpu.memref_slice %arg10[%mul3A_108, %dma_wait3A_131] : memref<50008x32xbf16, #tpu.memory_space<vmem_shared>> -> memref<200x32xbf16, #tpu.memory_space<vmem_shared>>
        %dma_wait3A_133 = arith.constant 0 : i32
        %dma_wait3A_134 = tpu.memref_slice %arg10[%mul3A_108, %dma_wait3A_133] : memref<50008x32xbf16, #tpu.memory_space<vmem_shared>> -> memref<200x32xbf16, #tpu.memory_space<vmem_shared>>
        %dma_wait3A_135 = arith.constant 0 : i32
        %dma_wait3A_136 = arith.constant 0 : i32
        %dma_wait3A_137 = tpu.memref_slice %arg14[%dma_wait3A_135, %dma_wait3A_136] : memref<448x32xbf16, #tpu.memory_space<vmem>> -> memref<200x32xbf16, #tpu.memory_space<vmem>>
        tpu.wait_dma2 semaphore(%run_scoped3A : memref<!tpu.dma_semaphore, #tpu.memory_space<semaphore_mem>>) src(%dma_wait3A_137 : memref<200x32xbf16, #tpu.memory_space<vmem>>) dst(%dma_wait3A_134 : memref<200x32xbf16, #tpu.memory_space<vmem_shared>>)
        tpu.yield
      }) : () -> ()
      %mul3A_109 = arith.constant 200 : i32
      %mul3A_110 = arith.muli %add3A, %mul3A_109 : i32
      "tpu.region"() ({
        %run_scoped3A = tpu.sem_alloc : memref<!tpu.dma_semaphore, #tpu.memory_space<semaphore_mem>>
        %dma_start3A_119 = arith.constant 0 : i32
        %dma_start3A_120 = tpu.memref_slice %arg15[%dma_start3A_119] : memref<208xf32, #tpu.memory_space<vmem>> -> memref<200xf32, #tpu.memory_space<vmem>>
        %dma_start3A_121 = tpu.memref_slice %arg11[%mul3A_110] : memref<50040xf32, #tpu.memory_space<vmem_shared>> -> memref<200xf32, #tpu.memory_space<vmem_shared>>
        %dma_start3A_122 = tpu.memref_slice %arg11[%mul3A_110] : memref<50040xf32, #tpu.memory_space<vmem_shared>> -> memref<200xf32, #tpu.memory_space<vmem_shared>>
        %dma_start3A_123 = arith.constant 0 : i32
        %dma_start3A_124 = tpu.memref_slice %arg15[%dma_start3A_123] : memref<208xf32, #tpu.memory_space<vmem>> -> memref<200xf32, #tpu.memory_space<vmem>>
        tpu.enqueue_dma source(%dma_start3A_124 : memref<200xf32, #tpu.memory_space<vmem>>) target(%dma_start3A_122 : memref<200xf32, #tpu.memory_space<vmem_shared>>) target_semaphore(%run_scoped3A : memref<!tpu.dma_semaphore, #tpu.memory_space<semaphore_mem>>)
        %dma_wait3A = arith.constant 0 : i32
        %dma_wait3A_125 = tpu.memref_slice %arg15[%dma_wait3A] : memref<208xf32, #tpu.memory_space<vmem>> -> memref<200xf32, #tpu.memory_space<vmem>>
        %dma_wait3A_126 = tpu.memref_slice %arg11[%mul3A_110] : memref<50040xf32, #tpu.memory_space<vmem_shared>> -> memref<200xf32, #tpu.memory_space<vmem_shared>>
        %dma_wait3A_127 = tpu.memref_slice %arg11[%mul3A_110] : memref<50040xf32, #tpu.memory_space<vmem_shared>> -> memref<200xf32, #tpu.memory_space<vmem_shared>>
        %dma_wait3A_128 = arith.constant 0 : i32
        %dma_wait3A_129 = tpu.memref_slice %arg15[%dma_wait3A_128] : memref<208xf32, #tpu.memory_space<vmem>> -> memref<200xf32, #tpu.memory_space<vmem>>
        tpu.wait_dma2 semaphore(%run_scoped3A : memref<!tpu.dma_semaphore, #tpu.memory_space<semaphore_mem>>) src(%dma_wait3A_129 : memref<200xf32, #tpu.memory_space<vmem>>) dst(%dma_wait3A_127 : memref<200xf32, #tpu.memory_space<vmem_shared>>)
        tpu.yield
      }) : () -> ()
      %mul3A_111 = arith.constant 50000 : i32
      %mul3A_112 = arith.muli %arg0, %mul3A_111 : i32
      %mul3A_113 = arith.constant 200 : i32
      %mul3A_114 = arith.muli %add3A, %mul3A_113 : i32
      %add3A_115 = arith.addi %mul3A_112, %mul3A_114 : i32
      "tpu.region"() ({
        %run_scoped3A = tpu.sem_alloc : memref<!tpu.dma_semaphore, #tpu.memory_space<semaphore_mem>>
        %dma_start3A_119 = arith.constant 0 : i32
        %dma_start3A_120 = arith.constant 0 : i32
        %dma_start3A_121 = tpu.memref_slice %arg12[%dma_start3A_119, %dma_start3A_120] : memref<448x32xbf16, #tpu.memory_space<vmem>> -> memref<200x32xbf16, #tpu.memory_space<vmem>>
        %dma_start3A_122 = arith.constant 0 : i32
        %dma_start3A_123 = tpu.memref_slice %arg3[%add3A_115, %dma_start3A_122] : memref<100008x32xbf16, #tpu.memory_space<hbm>> -> memref<200x32xbf16, #tpu.memory_space<hbm>>
        %dma_start3A_124 = arith.constant 0 : i32
        %dma_start3A_125 = arith.constant 0 : i32
        %dma_start3A_126 = tpu.memref_slice %arg12[%dma_start3A_124, %dma_start3A_125] : memref<448x32xbf16, #tpu.memory_space<vmem>> -> memref<200x32xbf16, #tpu.memory_space<vmem>>
        %dma_start3A_127 = arith.constant 0 : i32
        %dma_start3A_128 = tpu.memref_slice %arg3[%add3A_115, %dma_start3A_127] : memref<100008x32xbf16, #tpu.memory_space<hbm>> -> memref<200x32xbf16, #tpu.memory_space<hbm>>
        tpu.enqueue_dma source(%dma_start3A_128 : memref<200x32xbf16, #tpu.memory_space<hbm>>) target(%dma_start3A_126 : memref<200x32xbf16, #tpu.memory_space<vmem>>) target_semaphore(%run_scoped3A : memref<!tpu.dma_semaphore, #tpu.memory_space<semaphore_mem>>)
        %dma_wait3A = arith.constant 0 : i32
        %dma_wait3A_129 = arith.constant 0 : i32
        %dma_wait3A_130 = tpu.memref_slice %arg12[%dma_wait3A, %dma_wait3A_129] : memref<448x32xbf16, #tpu.memory_space<vmem>> -> memref<200x32xbf16, #tpu.memory_space<vmem>>
        %dma_wait3A_131 = arith.constant 0 : i32
        %dma_wait3A_132 = tpu.memref_slice %arg3[%add3A_115, %dma_wait3A_131] : memref<100008x32xbf16, #tpu.memory_space<hbm>> -> memref<200x32xbf16, #tpu.memory_space<hbm>>
        %dma_wait3A_133 = arith.constant 0 : i32
        %dma_wait3A_134 = arith.constant 0 : i32
        %dma_wait3A_135 = tpu.memref_slice %arg12[%dma_wait3A_133, %dma_wait3A_134] : memref<448x32xbf16, #tpu.memory_space<vmem>> -> memref<200x32xbf16, #tpu.memory_space<vmem>>
        %dma_wait3A_136 = arith.constant 0 : i32
        %dma_wait3A_137 = tpu.memref_slice %arg3[%add3A_115, %dma_wait3A_136] : memref<100008x32xbf16, #tpu.memory_space<hbm>> -> memref<200x32xbf16, #tpu.memory_space<hbm>>
        tpu.wait_dma2 semaphore(%run_scoped3A : memref<!tpu.dma_semaphore, #tpu.memory_space<semaphore_mem>>) src(%dma_wait3A_137 : memref<200x32xbf16, #tpu.memory_space<hbm>>) dst(%dma_wait3A_135 : memref<200x32xbf16, #tpu.memory_space<vmem>>)
        tpu.yield
      }) : () -> ()
      %mul3A_116 = arith.constant 200 : i32
      %mul3A_117 = arith.muli %add3A, %mul3A_116 : i32
      "tpu.region"() ({
        %run_scoped3A = tpu.sem_alloc : memref<!tpu.dma_semaphore, #tpu.memory_space<semaphore_mem>>
        %dma_start3A_119 = arith.constant 0 : i32
        %dma_start3A_120 = arith.constant 0 : i32
        %dma_start3A_121 = tpu.memref_slice %arg12[%dma_start3A_119, %dma_start3A_120] : memref<448x32xbf16, #tpu.memory_space<vmem>> -> memref<200x32xbf16, #tpu.memory_space<vmem>>
        %dma_start3A_122 = arith.constant 0 : i32
        %dma_start3A_123 = tpu.memref_slice %arg9[%mul3A_117, %dma_start3A_122] : memref<50008x32xbf16, #tpu.memory_space<vmem_shared>> -> memref<200x32xbf16, #tpu.memory_space<vmem_shared>>
        %dma_start3A_124 = arith.constant 0 : i32
        %dma_start3A_125 = tpu.memref_slice %arg9[%mul3A_117, %dma_start3A_124] : memref<50008x32xbf16, #tpu.memory_space<vmem_shared>> -> memref<200x32xbf16, #tpu.memory_space<vmem_shared>>
        %dma_start3A_126 = arith.constant 0 : i32
        %dma_start3A_127 = arith.constant 0 : i32
        %dma_start3A_128 = tpu.memref_slice %arg12[%dma_start3A_126, %dma_start3A_127] : memref<448x32xbf16, #tpu.memory_space<vmem>> -> memref<200x32xbf16, #tpu.memory_space<vmem>>
        tpu.enqueue_dma source(%dma_start3A_128 : memref<200x32xbf16, #tpu.memory_space<vmem>>) target(%dma_start3A_125 : memref<200x32xbf16, #tpu.memory_space<vmem_shared>>) target_semaphore(%run_scoped3A : memref<!tpu.dma_semaphore, #tpu.memory_space<semaphore_mem>>)
        %dma_wait3A = arith.constant 0 : i32
        %dma_wait3A_129 = arith.constant 0 : i32
        %dma_wait3A_130 = tpu.memref_slice %arg12[%dma_wait3A, %dma_wait3A_129] : memref<448x32xbf16, #tpu.memory_space<vmem>> -> memref<200x32xbf16, #tpu.memory_space<vmem>>
        %dma_wait3A_131 = arith.constant 0 : i32
        %dma_wait3A_132 = tpu.memref_slice %arg9[%mul3A_117, %dma_wait3A_131] : memref<50008x32xbf16, #tpu.memory_space<vmem_shared>> -> memref<200x32xbf16, #tpu.memory_space<vmem_shared>>
        %dma_wait3A_133 = arith.constant 0 : i32
        %dma_wait3A_134 = tpu.memref_slice %arg9[%mul3A_117, %dma_wait3A_133] : memref<50008x32xbf16, #tpu.memory_space<vmem_shared>> -> memref<200x32xbf16, #tpu.memory_space<vmem_shared>>
        %dma_wait3A_135 = arith.constant 0 : i32
        %dma_wait3A_136 = arith.constant 0 : i32
        %dma_wait3A_137 = tpu.memref_slice %arg12[%dma_wait3A_135, %dma_wait3A_136] : memref<448x32xbf16, #tpu.memory_space<vmem>> -> memref<200x32xbf16, #tpu.memory_space<vmem>>
        tpu.wait_dma2 semaphore(%run_scoped3A : memref<!tpu.dma_semaphore, #tpu.memory_space<semaphore_mem>>) src(%dma_wait3A_137 : memref<200x32xbf16, #tpu.memory_space<vmem>>) dst(%dma_wait3A_134 : memref<200x32xbf16, #tpu.memory_space<vmem_shared>>)
        tpu.yield
      }) : () -> ()
      %while3A_118 = arith.constant 0 : i32
      scf.yield %while3A_118 : i32
    }
    %while3A_27 = arith.constant 1 : i32
    %while3A_28 = scf.for %while3A_103 = %while3A_24 to %while3A_20 step %while3A_27 iter_args(%while3A_104 = %while3A_26) -> (i32)  : i32 {
      %mul3A_105 = arith.constant 16 : i32
      %mul3A_106 = arith.muli %while3A_103, %mul3A_105 : i32
      %add3A = arith.addi %arg1, %mul3A_106 : i32
      %mul3A_107 = arith.constant 200 : i32
      %mul3A_108 = arith.muli %add3A, %mul3A_107 : i32
      "tpu.region"() ({
        %run_scoped3A = tpu.sem_alloc : memref<!tpu.dma_semaphore, #tpu.memory_space<semaphore_mem>>
        %dma_start3A_119 = arith.constant 0 : i32
        %dma_start3A_120 = arith.constant 0 : i32
        %dma_start3A_121 = tpu.memref_slice %arg14[%dma_start3A_119, %dma_start3A_120] : memref<448x32xbf16, #tpu.memory_space<vmem>> -> memref<200x32xbf16, #tpu.memory_space<vmem>>
        %dma_start3A_122 = arith.constant 0 : i32
        %dma_start3A_123 = tpu.memref_slice %arg10[%mul3A_108, %dma_start3A_122] : memref<50008x32xbf16, #tpu.memory_space<vmem_shared>> -> memref<200x32xbf16, #tpu.memory_space<vmem_shared>>
        %dma_start3A_124 = arith.constant 0 : i32
        %dma_start3A_125 = tpu.memref_slice %arg10[%mul3A_108, %dma_start3A_124] : memref<50008x32xbf16, #tpu.memory_space<vmem_shared>> -> memref<200x32xbf16, #tpu.memory_space<vmem_shared>>
        %dma_start3A_126 = arith.constant 0 : i32
        %dma_start3A_127 = arith.constant 0 : i32
        %dma_start3A_128 = tpu.memref_slice %arg14[%dma_start3A_126, %dma_start3A_127] : memref<448x32xbf16, #tpu.memory_space<vmem>> -> memref<200x32xbf16, #tpu.memory_space<vmem>>
        tpu.enqueue_dma source(%dma_start3A_128 : memref<200x32xbf16, #tpu.memory_space<vmem>>) target(%dma_start3A_125 : memref<200x32xbf16, #tpu.memory_space<vmem_shared>>) target_semaphore(%run_scoped3A : memref<!tpu.dma_semaphore, #tpu.memory_space<semaphore_mem>>)
        %dma_wait3A = arith.constant 0 : i32
        %dma_wait3A_129 = arith.constant 0 : i32
        %dma_wait3A_130 = tpu.memref_slice %arg14[%dma_wait3A, %dma_wait3A_129] : memref<448x32xbf16, #tpu.memory_space<vmem>> -> memref<200x32xbf16, #tpu.memory_space<vmem>>
        %dma_wait3A_131 = arith.constant 0 : i32
        %dma_wait3A_132 = tpu.memref_slice %arg10[%mul3A_108, %dma_wait3A_131] : memref<50008x32xbf16, #tpu.memory_space<vmem_shared>> -> memref<200x32xbf16, #tpu.memory_space<vmem_shared>>
        %dma_wait3A_133 = arith.constant 0 : i32
        %dma_wait3A_134 = tpu.memref_slice %arg10[%mul3A_108, %dma_wait3A_133] : memref<50008x32xbf16, #tpu.memory_space<vmem_shared>> -> memref<200x32xbf16, #tpu.memory_space<vmem_shared>>
        %dma_wait3A_135 = arith.constant 0 : i32
        %dma_wait3A_136 = arith.constant 0 : i32
        %dma_wait3A_137 = tpu.memref_slice %arg14[%dma_wait3A_135, %dma_wait3A_136] : memref<448x32xbf16, #tpu.memory_space<vmem>> -> memref<200x32xbf16, #tpu.memory_space<vmem>>
        tpu.wait_dma2 semaphore(%run_scoped3A : memref<!tpu.dma_semaphore, #tpu.memory_space<semaphore_mem>>) src(%dma_wait3A_137 : memref<200x32xbf16, #tpu.memory_space<vmem>>) dst(%dma_wait3A_134 : memref<200x32xbf16, #tpu.memory_space<vmem_shared>>)
        tpu.yield
      }) : () -> ()
      %mul3A_109 = arith.constant 200 : i32
      %mul3A_110 = arith.muli %add3A, %mul3A_109 : i32
      "tpu.region"() ({
        %run_scoped3A = tpu.sem_alloc : memref<!tpu.dma_semaphore, #tpu.memory_space<semaphore_mem>>
        %dma_start3A_119 = arith.constant 0 : i32
        %dma_start3A_120 = tpu.memref_slice %arg15[%dma_start3A_119] : memref<208xf32, #tpu.memory_space<vmem>> -> memref<200xf32, #tpu.memory_space<vmem>>
        %dma_start3A_121 = tpu.memref_slice %arg11[%mul3A_110] : memref<50040xf32, #tpu.memory_space<vmem_shared>> -> memref<200xf32, #tpu.memory_space<vmem_shared>>
        %dma_start3A_122 = tpu.memref_slice %arg11[%mul3A_110] : memref<50040xf32, #tpu.memory_space<vmem_shared>> -> memref<200xf32, #tpu.memory_space<vmem_shared>>
        %dma_start3A_123 = arith.constant 0 : i32
        %dma_start3A_124 = tpu.memref_slice %arg15[%dma_start3A_123] : memref<208xf32, #tpu.memory_space<vmem>> -> memref<200xf32, #tpu.memory_space<vmem>>
        tpu.enqueue_dma source(%dma_start3A_124 : memref<200xf32, #tpu.memory_space<vmem>>) target(%dma_start3A_122 : memref<200xf32, #tpu.memory_space<vmem_shared>>) target_semaphore(%run_scoped3A : memref<!tpu.dma_semaphore, #tpu.memory_space<semaphore_mem>>)
        %dma_wait3A = arith.constant 0 : i32
        %dma_wait3A_125 = tpu.memref_slice %arg15[%dma_wait3A] : memref<208xf32, #tpu.memory_space<vmem>> -> memref<200xf32, #tpu.memory_space<vmem>>
        %dma_wait3A_126 = tpu.memref_slice %arg11[%mul3A_110] : memref<50040xf32, #tpu.memory_space<vmem_shared>> -> memref<200xf32, #tpu.memory_space<vmem_shared>>
        %dma_wait3A_127 = tpu.memref_slice %arg11[%mul3A_110] : memref<50040xf32, #tpu.memory_space<vmem_shared>> -> memref<200xf32, #tpu.memory_space<vmem_shared>>
        %dma_wait3A_128 = arith.constant 0 : i32
        %dma_wait3A_129 = tpu.memref_slice %arg15[%dma_wait3A_128] : memref<208xf32, #tpu.memory_space<vmem>> -> memref<200xf32, #tpu.memory_space<vmem>>
        tpu.wait_dma2 semaphore(%run_scoped3A : memref<!tpu.dma_semaphore, #tpu.memory_space<semaphore_mem>>) src(%dma_wait3A_129 : memref<200xf32, #tpu.memory_space<vmem>>) dst(%dma_wait3A_127 : memref<200xf32, #tpu.memory_space<vmem_shared>>)
        tpu.yield
      }) : () -> ()
      %mul3A_111 = arith.constant 50000 : i32
      %mul3A_112 = arith.muli %arg0, %mul3A_111 : i32
      %mul3A_113 = arith.constant 200 : i32
      %mul3A_114 = arith.muli %add3A, %mul3A_113 : i32
      %add3A_115 = arith.addi %mul3A_112, %mul3A_114 : i32
      "tpu.region"() ({
        %run_scoped3A = tpu.sem_alloc : memref<!tpu.dma_semaphore, #tpu.memory_space<semaphore_mem>>
        %dma_start3A_119 = arith.constant 0 : i32
        %dma_start3A_120 = arith.constant 0 : i32
        %dma_start3A_121 = tpu.memref_slice %arg12[%dma_start3A_119, %dma_start3A_120] : memref<448x32xbf16, #tpu.memory_space<vmem>> -> memref<200x32xbf16, #tpu.memory_space<vmem>>
        %dma_start3A_122 = arith.constant 0 : i32
        %dma_start3A_123 = tpu.memref_slice %arg3[%add3A_115, %dma_start3A_122] : memref<100008x32xbf16, #tpu.memory_space<hbm>> -> memref<200x32xbf16, #tpu.memory_space<hbm>>
        %dma_start3A_124 = arith.constant 0 : i32
        %dma_start3A_125 = arith.constant 0 : i32
        %dma_start3A_126 = tpu.memref_slice %arg12[%dma_start3A_124, %dma_start3A_125] : memref<448x32xbf16, #tpu.memory_space<vmem>> -> memref<200x32xbf16, #tpu.memory_space<vmem>>
        %dma_start3A_127 = arith.constant 0 : i32
        %dma_start3A_128 = tpu.memref_slice %arg3[%add3A_115, %dma_start3A_127] : memref<100008x32xbf16, #tpu.memory_space<hbm>> -> memref<200x32xbf16, #tpu.memory_space<hbm>>
        tpu.enqueue_dma source(%dma_start3A_128 : memref<200x32xbf16, #tpu.memory_space<hbm>>) target(%dma_start3A_126 : memref<200x32xbf16, #tpu.memory_space<vmem>>) target_semaphore(%run_scoped3A : memref<!tpu.dma_semaphore, #tpu.memory_space<semaphore_mem>>)
        %dma_wait3A = arith.constant 0 : i32
        %dma_wait3A_129 = arith.constant 0 : i32
        %dma_wait3A_130 = tpu.memref_slice %arg12[%dma_wait3A, %dma_wait3A_129] : memref<448x32xbf16, #tpu.memory_space<vmem>> -> memref<200x32xbf16, #tpu.memory_space<vmem>>
        %dma_wait3A_131 = arith.constant 0 : i32
        %dma_wait3A_132 = tpu.memref_slice %arg3[%add3A_115, %dma_wait3A_131] : memref<100008x32xbf16, #tpu.memory_space<hbm>> -> memref<200x32xbf16, #tpu.memory_space<hbm>>
        %dma_wait3A_133 = arith.constant 0 : i32
        %dma_wait3A_134 = arith.constant 0 : i32
        %dma_wait3A_135 = tpu.memref_slice %arg12[%dma_wait3A_133, %dma_wait3A_134] : memref<448x32xbf16, #tpu.memory_space<vmem>> -> memref<200x32xbf16, #tpu.memory_space<vmem>>
        %dma_wait3A_136 = arith.constant 0 : i32
        %dma_wait3A_137 = tpu.memref_slice %arg3[%add3A_115, %dma_wait3A_136] : memref<100008x32xbf16, #tpu.memory_space<hbm>> -> memref<200x32xbf16, #tpu.memory_space<hbm>>
        tpu.wait_dma2 semaphore(%run_scoped3A : memref<!tpu.dma_semaphore, #tpu.memory_space<semaphore_mem>>) src(%dma_wait3A_137 : memref<200x32xbf16, #tpu.memory_space<hbm>>) dst(%dma_wait3A_135 : memref<200x32xbf16, #tpu.memory_space<vmem>>)
        tpu.yield
      }) : () -> ()
      %mul3A_116 = arith.constant 200 : i32
      %mul3A_117 = arith.muli %add3A, %mul3A_116 : i32
      "tpu.region"() ({
        %run_scoped3A = tpu.sem_alloc : memref<!tpu.dma_semaphore, #tpu.memory_space<semaphore_mem>>
        %dma_start3A_119 = arith.constant 0 : i32
        %dma_start3A_120 = arith.constant 0 : i32
        %dma_start3A_121 = tpu.memref_slice %arg12[%dma_start3A_119, %dma_start3A_120] : memref<448x32xbf16, #tpu.memory_space<vmem>> -> memref<200x32xbf16, #tpu.memory_space<vmem>>
        %dma_start3A_122 = arith.constant 0 : i32
        %dma_start3A_123 = tpu.memref_slice %arg9[%mul3A_117, %dma_start3A_122] : memref<50008x32xbf16, #tpu.memory_space<vmem_shared>> -> memref<200x32xbf16, #tpu.memory_space<vmem_shared>>
        %dma_start3A_124 = arith.constant 0 : i32
        %dma_start3A_125 = tpu.memref_slice %arg9[%mul3A_117, %dma_start3A_124] : memref<50008x32xbf16, #tpu.memory_space<vmem_shared>> -> memref<200x32xbf16, #tpu.memory_space<vmem_shared>>
        %dma_start3A_126 = arith.constant 0 : i32
        %dma_start3A_127 = arith.constant 0 : i32
        %dma_start3A_128 = tpu.memref_slice %arg12[%dma_start3A_126, %dma_start3A_127] : memref<448x32xbf16, #tpu.memory_space<vmem>> -> memref<200x32xbf16, #tpu.memory_space<vmem>>
        tpu.enqueue_dma source(%dma_start3A_128 : memref<200x32xbf16, #tpu.memory_space<vmem>>) target(%dma_start3A_125 : memref<200x32xbf16, #tpu.memory_space<vmem_shared>>) target_semaphore(%run_scoped3A : memref<!tpu.dma_semaphore, #tpu.memory_space<semaphore_mem>>)
        %dma_wait3A = arith.constant 0 : i32
        %dma_wait3A_129 = arith.constant 0 : i32
        %dma_wait3A_130 = tpu.memref_slice %arg12[%dma_wait3A, %dma_wait3A_129] : memref<448x32xbf16, #tpu.memory_space<vmem>> -> memref<200x32xbf16, #tpu.memory_space<vmem>>
        %dma_wait3A_131 = arith.constant 0 : i32
        %dma_wait3A_132 = tpu.memref_slice %arg9[%mul3A_117, %dma_wait3A_131] : memref<50008x32xbf16, #tpu.memory_space<vmem_shared>> -> memref<200x32xbf16, #tpu.memory_space<vmem_shared>>
        %dma_wait3A_133 = arith.constant 0 : i32
        %dma_wait3A_134 = tpu.memref_slice %arg9[%mul3A_117, %dma_wait3A_133] : memref<50008x32xbf16, #tpu.memory_space<vmem_shared>> -> memref<200x32xbf16, #tpu.memory_space<vmem_shared>>
        %dma_wait3A_135 = arith.constant 0 : i32
        %dma_wait3A_136 = arith.constant 0 : i32
        %dma_wait3A_137 = tpu.memref_slice %arg12[%dma_wait3A_135, %dma_wait3A_136] : memref<448x32xbf16, #tpu.memory_space<vmem>> -> memref<200x32xbf16, #tpu.memory_space<vmem>>
        tpu.wait_dma2 semaphore(%run_scoped3A : memref<!tpu.dma_semaphore, #tpu.memory_space<semaphore_mem>>) src(%dma_wait3A_137 : memref<200x32xbf16, #tpu.memory_space<vmem>>) dst(%dma_wait3A_134 : memref<200x32xbf16, #tpu.memory_space<vmem_shared>>)
        tpu.yield
      }) : () -> ()
      %while3A_118 = arith.constant 0 : i32
      scf.yield %while3A_118 : i32
    }
    %eq3A = arith.constant 0 : i32
    %eq3A_29 = arith.cmpi eq, %arg1, %eq3A : i32
    %convert_element_type3A = arith.extui %eq3A_29 : i1 to i32
    %cond3A = arith.constant 0 : i32
    %cond3A_30 = arith.cmpi ne, %convert_element_type3A, %cond3A : i32
    scf.if %cond3A_30 {
      "tpu.region"() ({
        %run_scoped3A = tpu.sem_alloc : memref<!tpu.dma_semaphore, #tpu.memory_space<semaphore_mem>>
        %dma_start3A_103 = arith.constant 0 : i32
        %dma_start3A_104 = arith.constant 0 : i32
        %dma_start3A_105 = tpu.memref_slice %arg14[%dma_start3A_103, %dma_start3A_104] : memref<448x32xbf16, #tpu.memory_space<vmem>> -> memref<8x32xbf16, #tpu.memory_space<vmem>>
        %dma_start3A_106 = arith.constant 50000 : i32
        %dma_start3A_107 = arith.constant 0 : i32
        %dma_start3A_108 = tpu.memref_slice %arg10[%dma_start3A_106, %dma_start3A_107] : memref<50008x32xbf16, #tpu.memory_space<vmem_shared>> -> memref<8x32xbf16, #tpu.memory_space<vmem_shared>>
        %dma_start3A_109 = arith.constant 50000 : i32
        %dma_start3A_110 = arith.constant 0 : i32
        %dma_start3A_111 = tpu.memref_slice %arg10[%dma_start3A_109, %dma_start3A_110] : memref<50008x32xbf16, #tpu.memory_space<vmem_shared>> -> memref<8x32xbf16, #tpu.memory_space<vmem_shared>>
        %dma_start3A_112 = arith.constant 0 : i32
        %dma_start3A_113 = arith.constant 0 : i32
        %dma_start3A_114 = tpu.memref_slice %arg14[%dma_start3A_112, %dma_start3A_113] : memref<448x32xbf16, #tpu.memory_space<vmem>> -> memref<8x32xbf16, #tpu.memory_space<vmem>>
        tpu.enqueue_dma source(%dma_start3A_114 : memref<8x32xbf16, #tpu.memory_space<vmem>>) target(%dma_start3A_111 : memref<8x32xbf16, #tpu.memory_space<vmem_shared>>) target_semaphore(%run_scoped3A : memref<!tpu.dma_semaphore, #tpu.memory_space<semaphore_mem>>)
        %dma_wait3A = arith.constant 0 : i32
        %dma_wait3A_115 = arith.constant 0 : i32
        %dma_wait3A_116 = tpu.memref_slice %arg14[%dma_wait3A, %dma_wait3A_115] : memref<448x32xbf16, #tpu.memory_space<vmem>> -> memref<8x32xbf16, #tpu.memory_space<vmem>>
        %dma_wait3A_117 = arith.constant 50000 : i32
        %dma_wait3A_118 = arith.constant 0 : i32
        %dma_wait3A_119 = tpu.memref_slice %arg10[%dma_wait3A_117, %dma_wait3A_118] : memref<50008x32xbf16, #tpu.memory_space<vmem_shared>> -> memref<8x32xbf16, #tpu.memory_space<vmem_shared>>
        %dma_wait3A_120 = arith.constant 50000 : i32
        %dma_wait3A_121 = arith.constant 0 : i32
        %dma_wait3A_122 = tpu.memref_slice %arg10[%dma_wait3A_120, %dma_wait3A_121] : memref<50008x32xbf16, #tpu.memory_space<vmem_shared>> -> memref<8x32xbf16, #tpu.memory_space<vmem_shared>>
        %dma_wait3A_123 = arith.constant 0 : i32
        %dma_wait3A_124 = arith.constant 0 : i32
        %dma_wait3A_125 = tpu.memref_slice %arg14[%dma_wait3A_123, %dma_wait3A_124] : memref<448x32xbf16, #tpu.memory_space<vmem>> -> memref<8x32xbf16, #tpu.memory_space<vmem>>
        tpu.wait_dma2 semaphore(%run_scoped3A : memref<!tpu.dma_semaphore, #tpu.memory_space<semaphore_mem>>) src(%dma_wait3A_125 : memref<8x32xbf16, #tpu.memory_space<vmem>>) dst(%dma_wait3A_122 : memref<8x32xbf16, #tpu.memory_space<vmem_shared>>)
        tpu.yield
      }) : () -> ()
      "tpu.region"() ({
        %run_scoped3A = tpu.sem_alloc : memref<!tpu.dma_semaphore, #tpu.memory_space<semaphore_mem>>
        %dma_start3A_103 = arith.constant 0 : i32
        %dma_start3A_104 = arith.constant 0 : i32
        %dma_start3A_105 = tpu.memref_slice %arg14[%dma_start3A_103, %dma_start3A_104] : memref<448x32xbf16, #tpu.memory_space<vmem>> -> memref<8x32xbf16, #tpu.memory_space<vmem>>
        %dma_start3A_106 = arith.constant 50000 : i32
        %dma_start3A_107 = arith.constant 0 : i32
        %dma_start3A_108 = tpu.memref_slice %arg9[%dma_start3A_106, %dma_start3A_107] : memref<50008x32xbf16, #tpu.memory_space<vmem_shared>> -> memref<8x32xbf16, #tpu.memory_space<vmem_shared>>
        %dma_start3A_109 = arith.constant 50000 : i32
        %dma_start3A_110 = arith.constant 0 : i32
        %dma_start3A_111 = tpu.memref_slice %arg9[%dma_start3A_109, %dma_start3A_110] : memref<50008x32xbf16, #tpu.memory_space<vmem_shared>> -> memref<8x32xbf16, #tpu.memory_space<vmem_shared>>
        %dma_start3A_112 = arith.constant 0 : i32
        %dma_start3A_113 = arith.constant 0 : i32
        %dma_start3A_114 = tpu.memref_slice %arg14[%dma_start3A_112, %dma_start3A_113] : memref<448x32xbf16, #tpu.memory_space<vmem>> -> memref<8x32xbf16, #tpu.memory_space<vmem>>
        tpu.enqueue_dma source(%dma_start3A_114 : memref<8x32xbf16, #tpu.memory_space<vmem>>) target(%dma_start3A_111 : memref<8x32xbf16, #tpu.memory_space<vmem_shared>>) target_semaphore(%run_scoped3A : memref<!tpu.dma_semaphore, #tpu.memory_space<semaphore_mem>>)
        %dma_wait3A = arith.constant 0 : i32
        %dma_wait3A_115 = arith.constant 0 : i32
        %dma_wait3A_116 = tpu.memref_slice %arg14[%dma_wait3A, %dma_wait3A_115] : memref<448x32xbf16, #tpu.memory_space<vmem>> -> memref<8x32xbf16, #tpu.memory_space<vmem>>
        %dma_wait3A_117 = arith.constant 50000 : i32
        %dma_wait3A_118 = arith.constant 0 : i32
        %dma_wait3A_119 = tpu.memref_slice %arg9[%dma_wait3A_117, %dma_wait3A_118] : memref<50008x32xbf16, #tpu.memory_space<vmem_shared>> -> memref<8x32xbf16, #tpu.memory_space<vmem_shared>>
        %dma_wait3A_120 = arith.constant 50000 : i32
        %dma_wait3A_121 = arith.constant 0 : i32
        %dma_wait3A_122 = tpu.memref_slice %arg9[%dma_wait3A_120, %dma_wait3A_121] : memref<50008x32xbf16, #tpu.memory_space<vmem_shared>> -> memref<8x32xbf16, #tpu.memory_space<vmem_shared>>
        %dma_wait3A_123 = arith.constant 0 : i32
        %dma_wait3A_124 = arith.constant 0 : i32
        %dma_wait3A_125 = tpu.memref_slice %arg14[%dma_wait3A_123, %dma_wait3A_124] : memref<448x32xbf16, #tpu.memory_space<vmem>> -> memref<8x32xbf16, #tpu.memory_space<vmem>>
        tpu.wait_dma2 semaphore(%run_scoped3A : memref<!tpu.dma_semaphore, #tpu.memory_space<semaphore_mem>>) src(%dma_wait3A_125 : memref<8x32xbf16, #tpu.memory_space<vmem>>) dst(%dma_wait3A_122 : memref<8x32xbf16, #tpu.memory_space<vmem_shared>>)
        tpu.yield
      }) : () -> ()
      "tpu.region"() ({
        %run_scoped3A = tpu.sem_alloc : memref<!tpu.dma_semaphore, #tpu.memory_space<semaphore_mem>>
        %dma_start3A_103 = arith.constant 0 : i32
        %dma_start3A_104 = tpu.memref_slice %arg15[%dma_start3A_103] : memref<208xf32, #tpu.memory_space<vmem>> -> memref<40xf32, #tpu.memory_space<vmem>>
        %dma_start3A_105 = arith.constant 50000 : i32
        %dma_start3A_106 = tpu.memref_slice %arg11[%dma_start3A_105] : memref<50040xf32, #tpu.memory_space<vmem_shared>> -> memref<40xf32, #tpu.memory_space<vmem_shared>>
        %dma_start3A_107 = arith.constant 50000 : i32
        %dma_start3A_108 = tpu.memref_slice %arg11[%dma_start3A_107] : memref<50040xf32, #tpu.memory_space<vmem_shared>> -> memref<40xf32, #tpu.memory_space<vmem_shared>>
        %dma_start3A_109 = arith.constant 0 : i32
        %dma_start3A_110 = tpu.memref_slice %arg15[%dma_start3A_109] : memref<208xf32, #tpu.memory_space<vmem>> -> memref<40xf32, #tpu.memory_space<vmem>>
        tpu.enqueue_dma source(%dma_start3A_110 : memref<40xf32, #tpu.memory_space<vmem>>) target(%dma_start3A_108 : memref<40xf32, #tpu.memory_space<vmem_shared>>) target_semaphore(%run_scoped3A : memref<!tpu.dma_semaphore, #tpu.memory_space<semaphore_mem>>)
        %dma_wait3A = arith.constant 0 : i32
        %dma_wait3A_111 = tpu.memref_slice %arg15[%dma_wait3A] : memref<208xf32, #tpu.memory_space<vmem>> -> memref<40xf32, #tpu.memory_space<vmem>>
        %dma_wait3A_112 = arith.constant 50000 : i32
        %dma_wait3A_113 = tpu.memref_slice %arg11[%dma_wait3A_112] : memref<50040xf32, #tpu.memory_space<vmem_shared>> -> memref<40xf32, #tpu.memory_space<vmem_shared>>
        %dma_wait3A_114 = arith.constant 50000 : i32
        %dma_wait3A_115 = tpu.memref_slice %arg11[%dma_wait3A_114] : memref<50040xf32, #tpu.memory_space<vmem_shared>> -> memref<40xf32, #tpu.memory_space<vmem_shared>>
        %dma_wait3A_116 = arith.constant 0 : i32
        %dma_wait3A_117 = tpu.memref_slice %arg15[%dma_wait3A_116] : memref<208xf32, #tpu.memory_space<vmem>> -> memref<40xf32, #tpu.memory_space<vmem>>
        tpu.wait_dma2 semaphore(%run_scoped3A : memref<!tpu.dma_semaphore, #tpu.memory_space<semaphore_mem>>) src(%dma_wait3A_117 : memref<40xf32, #tpu.memory_space<vmem>>) dst(%dma_wait3A_115 : memref<40xf32, #tpu.memory_space<vmem_shared>>)
        tpu.yield
      }) : () -> ()
    } else {
    }
    %barrier3A = arith.constant 0 : index
    tpu.barrier barrier_id(%barrier3A)
    %mul3A = arith.constant 56 : i32
    %mul3A_31 = arith.muli %arg1, %mul3A : i32
    %mul3A_32 = arith.constant 4 : i32
    %mul3A_33 = arith.muli %mul3A_31, %mul3A_32 : i32
    %mul3A_34 = arith.constant 112 : i32
    %mul3A_35 = arith.muli %mul3A_33, %mul3A_34 : i32
    "tpu.region"() ({
      %run_scoped3A = tpu.sem_alloc : memref<!tpu.dma_semaphore, #tpu.memory_space<semaphore_mem>>
      %dma_start3A_103 = tpu.memref_slice %arg4[%mul3A_35] : memref<401408xi32, #tpu.memory_space<hbm>> -> memref<448xi32, #tpu.memory_space<hbm>>
      %dma_start3A_104 = tpu.memref_slice %arg4[%mul3A_35] : memref<401408xi32, #tpu.memory_space<hbm>> -> memref<448xi32, #tpu.memory_space<hbm>>
      tpu.enqueue_dma source(%dma_start3A_104 : memref<448xi32, #tpu.memory_space<hbm>>) target(%arg17 : memref<448xi32, #tpu.memory_space<vmem>>) target_semaphore(%run_scoped3A : memref<!tpu.dma_semaphore, #tpu.memory_space<semaphore_mem>>)
      %dma_wait3A = tpu.memref_slice %arg4[%mul3A_35] : memref<401408xi32, #tpu.memory_space<hbm>> -> memref<448xi32, #tpu.memory_space<hbm>>
      %dma_wait3A_105 = tpu.memref_slice %arg4[%mul3A_35] : memref<401408xi32, #tpu.memory_space<hbm>> -> memref<448xi32, #tpu.memory_space<hbm>>
      tpu.wait_dma2 semaphore(%run_scoped3A : memref<!tpu.dma_semaphore, #tpu.memory_space<semaphore_mem>>) src(%dma_wait3A_105 : memref<448xi32, #tpu.memory_space<hbm>>) dst(%arg17 : memref<448xi32, #tpu.memory_space<vmem>>)
      tpu.yield
    }) : () -> ()
    %dma_start3A = arith.constant 0 : i32
    %dma_start3A_36 = arith.constant 0 : i32
    %dma_start3A_37 = tpu.memref_slice %arg9[%dma_start3A, %dma_start3A_36] : memref<50008x32xbf16, #tpu.memory_space<vmem_shared>> -> memref<50008x32xbf16, #tpu.memory_space<vmem_shared>>
    tpu.enqueue_indirect_dma source(%dma_start3A_37 : memref<50008x32xbf16, #tpu.memory_space<vmem_shared>>) target(%arg12 : memref<448x32xbf16, #tpu.memory_space<vmem>>) offsets(%arg17 : memref<448xi32, #tpu.memory_space<vmem>>) semaphore(%arg26 : memref<!tpu.dma_semaphore, #tpu.memory_space<semaphore_mem>>)
    %scan3A_38 = arith.constant 1.000000e+00 : bf16
    %scan3A_39 = arith.constant 0.000000e+00 : bf16
    %scan3A_40 = arith.constant 0 : i32
    %scan3A_41 = arith.constant 28 : i32
    %scan3A_42 = arith.addi %scan3A_40, %scan3A_41 : i32
    %scan3A_43 = arith.constant 1 : i32
    %scan3A_44:2 = scf.for %scan3A_103 = %scan3A_40 to %scan3A_42 step %scan3A_43 iter_args(%scan3A_104 = %broadcast_in_dim3A_0, %scan3A_105 = %broadcast_in_dim3A_0) -> (vector<16xf32>, vector<16xf32>)  : i32 {
      %mul3A_106 = arith.constant 2 : i32
      %mul3A_107 = arith.muli %mul3A_106, %scan3A_103 : i32
      %add3A = arith.constant 0 : i32
      %add3A_108 = arith.addi %mul3A_107, %add3A : i32
      %dma_wait3A = arith.constant 0 : i32
      %dma_wait3A_109 = arith.constant 0 : i32
      %dma_wait3A_110 = tpu.memref_slice %arg9[%dma_wait3A, %dma_wait3A_109] : memref<50008x32xbf16, #tpu.memory_space<vmem_shared>> -> memref<50008x32xbf16, #tpu.memory_space<vmem_shared>>
      tpu.wait_indirect_dma semaphore(%arg26 : memref<!tpu.dma_semaphore, #tpu.memory_space<semaphore_mem>>) src(%dma_wait3A_110 : memref<50008x32xbf16, #tpu.memory_space<vmem_shared>>) dst(%arg12 : memref<448x32xbf16, #tpu.memory_space<vmem>>)
      %add3A_111 = arith.constant 1 : i32
      %add3A_112 = arith.addi %add3A_108, %add3A_111 : i32
      %lt3A_113 = arith.constant 56 : i32
      %lt3A_114 = arith.cmpi slt, %add3A_112, %lt3A_113 : i32
      %convert_element_type3A_115 = arith.extui %lt3A_114 : i1 to i32
      %cond3A_116 = arith.constant 0 : i32
      %cond3A_117 = arith.cmpi ne, %convert_element_type3A_115, %cond3A_116 : i32
      scf.if %cond3A_117 {
        %add3A_144 = arith.addi %mul3A_31, %add3A_108 : i32
        %add3A_145 = arith.constant 1 : i32
        %add3A_146 = arith.addi %add3A_144, %add3A_145 : i32
        %mul3A_147 = arith.constant 4 : i32
        %mul3A_148 = arith.muli %add3A_146, %mul3A_147 : i32
        %mul3A_149 = arith.constant 112 : i32
        %mul3A_150 = arith.muli %mul3A_148, %mul3A_149 : i32
        "tpu.region"() ({
          %run_scoped3A = tpu.sem_alloc : memref<!tpu.dma_semaphore, #tpu.memory_space<semaphore_mem>>
          %dma_start3A_154 = tpu.memref_slice %arg4[%mul3A_150] : memref<401408xi32, #tpu.memory_space<hbm>> -> memref<448xi32, #tpu.memory_space<hbm>>
          %dma_start3A_155 = tpu.memref_slice %arg4[%mul3A_150] : memref<401408xi32, #tpu.memory_space<hbm>> -> memref<448xi32, #tpu.memory_space<hbm>>
          tpu.enqueue_dma source(%dma_start3A_155 : memref<448xi32, #tpu.memory_space<hbm>>) target(%arg18 : memref<448xi32, #tpu.memory_space<vmem>>) target_semaphore(%run_scoped3A : memref<!tpu.dma_semaphore, #tpu.memory_space<semaphore_mem>>)
          %dma_wait3A_156 = tpu.memref_slice %arg4[%mul3A_150] : memref<401408xi32, #tpu.memory_space<hbm>> -> memref<448xi32, #tpu.memory_space<hbm>>
          %dma_wait3A_157 = tpu.memref_slice %arg4[%mul3A_150] : memref<401408xi32, #tpu.memory_space<hbm>> -> memref<448xi32, #tpu.memory_space<hbm>>
          tpu.wait_dma2 semaphore(%run_scoped3A : memref<!tpu.dma_semaphore, #tpu.memory_space<semaphore_mem>>) src(%dma_wait3A_157 : memref<448xi32, #tpu.memory_space<hbm>>) dst(%arg18 : memref<448xi32, #tpu.memory_space<vmem>>)
          tpu.yield
        }) : () -> ()
        %dma_start3A_151 = arith.constant 0 : i32
        %dma_start3A_152 = arith.constant 0 : i32
        %dma_start3A_153 = tpu.memref_slice %arg9[%dma_start3A_151, %dma_start3A_152] : memref<50008x32xbf16, #tpu.memory_space<vmem_shared>> -> memref<50008x32xbf16, #tpu.memory_space<vmem_shared>>
        tpu.enqueue_indirect_dma source(%dma_start3A_153 : memref<50008x32xbf16, #tpu.memory_space<vmem_shared>>) target(%arg13 : memref<448x32xbf16, #tpu.memory_space<vmem>>) offsets(%arg18 : memref<448xi32, #tpu.memory_space<vmem>>) semaphore(%arg27 : memref<!tpu.dma_semaphore, #tpu.memory_space<semaphore_mem>>)
      } else {
      }
      %scan3A_118 = arith.constant 0 : i32
      %scan3A_119 = arith.constant 112 : i32
      %scan3A_120 = arith.addi %scan3A_118, %scan3A_119 : i32
      %scan3A_121 = arith.constant 4 : i32
      %scan3A_122:2 = scf.for %scan3A_144 = %scan3A_118 to %scan3A_120 step %scan3A_121 iter_args(%scan3A_145 = %scan3A_104, %scan3A_146 = %scan3A_105) -> (vector<16xf32>, vector<16xf32>)  : i32 {
        %get3A_147 = arith.index_cast %scan3A_144 : i32 to index
        %get3A_148 = arith.constant 0 : index
        %get3A_149 = tpu.vector_load %arg12[%get3A_147, %get3A_148] {strides = array<i32>} : memref<448x32xbf16, #tpu.memory_space<vmem>>, vector<32xbf16>,
        %add3A_150 = arith.constant 112 : i32
        %add3A_151 = arith.addi %add3A_150, %scan3A_144 : i32
        %get3A_152 = arith.index_cast %add3A_151 : i32 to index
        %get3A_153 = arith.constant 0 : index
        %get3A_154 = tpu.vector_load %arg12[%get3A_152, %get3A_153] {strides = array<i32>} : memref<448x32xbf16, #tpu.memory_space<vmem>>, vector<32xbf16>,
        %add3A_155 = arith.addf %get3A_149, %get3A_154 : vector<32xbf16>
        %add3A_156 = arith.constant 224 : i32
        %add3A_157 = arith.addi %add3A_156, %scan3A_144 : i32
        %get3A_158 = arith.index_cast %add3A_157 : i32 to index
        %get3A_159 = arith.constant 0 : index
        %get3A_160 = tpu.vector_load %arg12[%get3A_158, %get3A_159] {strides = array<i32>} : memref<448x32xbf16, #tpu.memory_space<vmem>>, vector<32xbf16>,
        %add3A_161 = arith.addf %add3A_155, %get3A_160 : vector<32xbf16>
        %add3A_162 = arith.constant 336 : i32
        %add3A_163 = arith.addi %add3A_162, %scan3A_144 : i32
        %get3A_164 = arith.index_cast %add3A_163 : i32 to index
        %get3A_165 = arith.constant 0 : index
        %get3A_166 = tpu.vector_load %arg12[%get3A_164, %get3A_165] {strides = array<i32>} : memref<448x32xbf16, #tpu.memory_space<vmem>>, vector<32xbf16>,
        %add3A_167 = arith.addf %add3A_161, %get3A_166 : vector<32xbf16>
        %min3A = vector.broadcast %scan3A_38 : bf16 to vector<32xbf16>
        %min3A_168 = arith.minimumf %add3A_167, %min3A : vector<32xbf16>
        %unpack3A = tpu.unpack_subelements %min3A_168, 0 {pack_format = #tpu.pack_format<interleaved>} : vector<32xbf16> -> vector<16xf32>
        %unpack3A_169 = tpu.unpack_subelements %min3A_168, 1 {pack_format = #tpu.pack_format<interleaved>} : vector<32xbf16> -> vector<16xf32>
        %lt3A_170 = vector.broadcast %scan3A_38 : bf16 to vector<32xbf16>
        %lt3A_171 = arith.cmpf olt, %add3A_167, %lt3A_170 : vector<32xbf16>
        %broadcast_in_dim3A_172 = vector.broadcast %scan3A_38 : bf16 to vector<32xbf16>
        %broadcast_in_dim3A_173 = vector.broadcast %scan3A_39 : bf16 to vector<32xbf16>
        %select_n3A_174 = arith.select %lt3A_171, %broadcast_in_dim3A_172, %broadcast_in_dim3A_173 : vector<32xi1>, vector<32xbf16>
        %add3A_175 = arith.constant 0 : i32
        %add3A_176 = arith.addi %add3A_175, %scan3A_144 : i32
        %swap3A_177 = arith.index_cast %add3A_176 : i32 to index
        %swap3A_178 = arith.constant 0 : index
        %swap3A_179 = tpu.vector_load %arg14[%swap3A_177, %swap3A_178] {strides = array<i32>} : memref<448x32xbf16, #tpu.memory_space<vmem>>, vector<32xbf16>,
        tpu.vector_store %arg14[%swap3A_177, %swap3A_178], %select_n3A_174 {strides = array<i32>} : memref<448x32xbf16, #tpu.memory_space<vmem>>, vector<32xbf16>,
        %add3A_180 = arith.constant 112 : i32
        %add3A_181 = arith.addi %add3A_180, %scan3A_144 : i32
        %swap3A_182 = arith.index_cast %add3A_181 : i32 to index
        %swap3A_183 = arith.constant 0 : index
        %swap3A_184 = tpu.vector_load %arg14[%swap3A_182, %swap3A_183] {strides = array<i32>} : memref<448x32xbf16, #tpu.memory_space<vmem>>, vector<32xbf16>,
        tpu.vector_store %arg14[%swap3A_182, %swap3A_183], %select_n3A_174 {strides = array<i32>} : memref<448x32xbf16, #tpu.memory_space<vmem>>, vector<32xbf16>,
        %add3A_185 = arith.constant 224 : i32
        %add3A_186 = arith.addi %add3A_185, %scan3A_144 : i32
        %swap3A_187 = arith.index_cast %add3A_186 : i32 to index
        %swap3A_188 = arith.constant 0 : index
        %swap3A_189 = tpu.vector_load %arg14[%swap3A_187, %swap3A_188] {strides = array<i32>} : memref<448x32xbf16, #tpu.memory_space<vmem>>, vector<32xbf16>,
        tpu.vector_store %arg14[%swap3A_187, %swap3A_188], %select_n3A_174 {strides = array<i32>} : memref<448x32xbf16, #tpu.memory_space<vmem>>, vector<32xbf16>,
        %add3A_190 = arith.constant 336 : i32
        %add3A_191 = arith.addi %add3A_190, %scan3A_144 : i32
        %swap3A_192 = arith.index_cast %add3A_191 : i32 to index
        %swap3A_193 = arith.constant 0 : index
        %swap3A_194 = tpu.vector_load %arg14[%swap3A_192, %swap3A_193] {strides = array<i32>} : memref<448x32xbf16, #tpu.memory_space<vmem>>, vector<32xbf16>,
        tpu.vector_store %arg14[%swap3A_192, %swap3A_193], %select_n3A_174 {strides = array<i32>} : memref<448x32xbf16, #tpu.memory_space<vmem>>, vector<32xbf16>,
        %add3A_195 = arith.addf %scan3A_145, %unpack3A : vector<16xf32>
        %add3A_196 = arith.addf %scan3A_146, %unpack3A_169 : vector<16xf32>
        %scan3A_197 = arith.constant 1 : i32
        %scan3A_198 = arith.addi %scan3A_144, %scan3A_197 : i32
        %get3A_199 = arith.index_cast %scan3A_198 : i32 to index
        %get3A_200 = arith.constant 0 : index
        %get3A_201 = tpu.vector_load %arg12[%get3A_199, %get3A_200] {strides = array<i32>} : memref<448x32xbf16, #tpu.memory_space<vmem>>, vector<32xbf16>,
        %add3A_202 = arith.constant 112 : i32
        %add3A_203 = arith.addi %add3A_202, %scan3A_198 : i32
        %get3A_204 = arith.index_cast %add3A_203 : i32 to index
        %get3A_205 = arith.constant 0 : index
        %get3A_206 = tpu.vector_load %arg12[%get3A_204, %get3A_205] {strides = array<i32>} : memref<448x32xbf16, #tpu.memory_space<vmem>>, vector<32xbf16>,
        %add3A_207 = arith.addf %get3A_201, %get3A_206 : vector<32xbf16>
        %add3A_208 = arith.constant 224 : i32
        %add3A_209 = arith.addi %add3A_208, %scan3A_198 : i32
        %get3A_210 = arith.index_cast %add3A_209 : i32 to index
        %get3A_211 = arith.constant 0 : index
        %get3A_212 = tpu.vector_load %arg12[%get3A_210, %get3A_211] {strides = array<i32>} : memref<448x32xbf16, #tpu.memory_space<vmem>>, vector<32xbf16>,
        %add3A_213 = arith.addf %add3A_207, %get3A_212 : vector<32xbf16>
        %add3A_214 = arith.constant 336 : i32
        %add3A_215 = arith.addi %add3A_214, %scan3A_198 : i32
        %get3A_216 = arith.index_cast %add3A_215 : i32 to index
        %get3A_217 = arith.constant 0 : index
        %get3A_218 = tpu.vector_load %arg12[%get3A_216, %get3A_217] {strides = array<i32>} : memref<448x32xbf16, #tpu.memory_space<vmem>>, vector<32xbf16>,
        %add3A_219 = arith.addf %add3A_213, %get3A_218 : vector<32xbf16>
        %min3A_220 = vector.broadcast %scan3A_38 : bf16 to vector<32xbf16>
        %min3A_221 = arith.minimumf %add3A_219, %min3A_220 : vector<32xbf16>
        %unpack3A_222 = tpu.unpack_subelements %min3A_221, 0 {pack_format = #tpu.pack_format<interleaved>} : vector<32xbf16> -> vector<16xf32>
        %unpack3A_223 = tpu.unpack_subelements %min3A_221, 1 {pack_format = #tpu.pack_format<interleaved>} : vector<32xbf16> -> vector<16xf32>
        %lt3A_224 = vector.broadcast %scan3A_38 : bf16 to vector<32xbf16>
        %lt3A_225 = arith.cmpf olt, %add3A_219, %lt3A_224 : vector<32xbf16>
        %broadcast_in_dim3A_226 = vector.broadcast %scan3A_38 : bf16 to vector<32xbf16>
        %broadcast_in_dim3A_227 = vector.broadcast %scan3A_39 : bf16 to vector<32xbf16>
        %select_n3A_228 = arith.select %lt3A_225, %broadcast_in_dim3A_226, %broadcast_in_dim3A_227 : vector<32xi1>, vector<32xbf16>
        %add3A_229 = arith.constant 0 : i32
        %add3A_230 = arith.addi %add3A_229, %scan3A_198 : i32
        %swap3A_231 = arith.index_cast %add3A_230 : i32 to index
        %swap3A_232 = arith.constant 0 : index
        %swap3A_233 = tpu.vector_load %arg14[%swap3A_231, %swap3A_232] {strides = array<i32>} : memref<448x32xbf16, #tpu.memory_space<vmem>>, vector<32xbf16>,
        tpu.vector_store %arg14[%swap3A_231, %swap3A_232], %select_n3A_228 {strides = array<i32>} : memref<448x32xbf16, #tpu.memory_space<vmem>>, vector<32xbf16>,
        %add3A_234 = arith.constant 112 : i32
        %add3A_235 = arith.addi %add3A_234, %scan3A_198 : i32
        %swap3A_236 = arith.index_cast %add3A_235 : i32 to index
        %swap3A_237 = arith.constant 0 : index
        %swap3A_238 = tpu.vector_load %arg14[%swap3A_236, %swap3A_237] {strides = array<i32>} : memref<448x32xbf16, #tpu.memory_space<vmem>>, vector<32xbf16>,
        tpu.vector_store %arg14[%swap3A_236, %swap3A_237], %select_n3A_228 {strides = array<i32>} : memref<448x32xbf16, #tpu.memory_space<vmem>>, vector<32xbf16>,
        %add3A_239 = arith.constant 224 : i32
        %add3A_240 = arith.addi %add3A_239, %scan3A_198 : i32
        %swap3A_241 = arith.index_cast %add3A_240 : i32 to index
        %swap3A_242 = arith.constant 0 : index
        %swap3A_243 = tpu.vector_load %arg14[%swap3A_241, %swap3A_242] {strides = array<i32>} : memref<448x32xbf16, #tpu.memory_space<vmem>>, vector<32xbf16>,
        tpu.vector_store %arg14[%swap3A_241, %swap3A_242], %select_n3A_228 {strides = array<i32>} : memref<448x32xbf16, #tpu.memory_space<vmem>>, vector<32xbf16>,
        %add3A_244 = arith.constant 336 : i32
        %add3A_245 = arith.addi %add3A_244, %scan3A_198 : i32
        %swap3A_246 = arith.index_cast %add3A_245 : i32 to index
        %swap3A_247 = arith.constant 0 : index
        %swap3A_248 = tpu.vector_load %arg14[%swap3A_246, %swap3A_247] {strides = array<i32>} : memref<448x32xbf16, #tpu.memory_space<vmem>>, vector<32xbf16>,
        tpu.vector_store %arg14[%swap3A_246, %swap3A_247], %select_n3A_228 {strides = array<i32>} : memref<448x32xbf16, #tpu.memory_space<vmem>>, vector<32xbf16>,
        %add3A_249 = arith.addf %add3A_195, %unpack3A_222 : vector<16xf32>
        %add3A_250 = arith.addf %add3A_196, %unpack3A_223 : vector<16xf32>
        %scan3A_251 = arith.constant 2 : i32
        %scan3A_252 = arith.addi %scan3A_144, %scan3A_251 : i32
        %get3A_253 = arith.index_cast %scan3A_252 : i32 to index
        %get3A_254 = arith.constant 0 : index
        %get3A_255 = tpu.vector_load %arg12[%get3A_253, %get3A_254] {strides = array<i32>} : memref<448x32xbf16, #tpu.memory_space<vmem>>, vector<32xbf16>,
        %add3A_256 = arith.constant 112 : i32
        %add3A_257 = arith.addi %add3A_256, %scan3A_252 : i32
        %get3A_258 = arith.index_cast %add3A_257 : i32 to index
        %get3A_259 = arith.constant 0 : index
        %get3A_260 = tpu.vector_load %arg12[%get3A_258, %get3A_259] {strides = array<i32>} : memref<448x32xbf16, #tpu.memory_space<vmem>>, vector<32xbf16>,
        %add3A_261 = arith.addf %get3A_255, %get3A_260 : vector<32xbf16>
        %add3A_262 = arith.constant 224 : i32
        %add3A_263 = arith.addi %add3A_262, %scan3A_252 : i32
        %get3A_264 = arith.index_cast %add3A_263 : i32 to index
        %get3A_265 = arith.constant 0 : index
        %get3A_266 = tpu.vector_load %arg12[%get3A_264, %get3A_265] {strides = array<i32>} : memref<448x32xbf16, #tpu.memory_space<vmem>>, vector<32xbf16>,
        %add3A_267 = arith.addf %add3A_261, %get3A_266 : vector<32xbf16>
        %add3A_268 = arith.constant 336 : i32
        %add3A_269 = arith.addi %add3A_268, %scan3A_252 : i32
        %get3A_270 = arith.index_cast %add3A_269 : i32 to index
        %get3A_271 = arith.constant 0 : index
        %get3A_272 = tpu.vector_load %arg12[%get3A_270, %get3A_271] {strides = array<i32>} : memref<448x32xbf16, #tpu.memory_space<vmem>>, vector<32xbf16>,
        %add3A_273 = arith.addf %add3A_267, %get3A_272 : vector<32xbf16>
        %min3A_274 = vector.broadcast %scan3A_38 : bf16 to vector<32xbf16>
        %min3A_275 = arith.minimumf %add3A_273, %min3A_274 : vector<32xbf16>
        %unpack3A_276 = tpu.unpack_subelements %min3A_275, 0 {pack_format = #tpu.pack_format<interleaved>} : vector<32xbf16> -> vector<16xf32>
        %unpack3A_277 = tpu.unpack_subelements %min3A_275, 1 {pack_format = #tpu.pack_format<interleaved>} : vector<32xbf16> -> vector<16xf32>
        %lt3A_278 = vector.broadcast %scan3A_38 : bf16 to vector<32xbf16>
        %lt3A_279 = arith.cmpf olt, %add3A_273, %lt3A_278 : vector<32xbf16>
        %broadcast_in_dim3A_280 = vector.broadcast %scan3A_38 : bf16 to vector<32xbf16>
        %broadcast_in_dim3A_281 = vector.broadcast %scan3A_39 : bf16 to vector<32xbf16>
        %select_n3A_282 = arith.select %lt3A_279, %broadcast_in_dim3A_280, %broadcast_in_dim3A_281 : vector<32xi1>, vector<32xbf16>
        %add3A_283 = arith.constant 0 : i32
        %add3A_284 = arith.addi %add3A_283, %scan3A_252 : i32
        %swap3A_285 = arith.index_cast %add3A_284 : i32 to index
        %swap3A_286 = arith.constant 0 : index
        %swap3A_287 = tpu.vector_load %arg14[%swap3A_285, %swap3A_286] {strides = array<i32>} : memref<448x32xbf16, #tpu.memory_space<vmem>>, vector<32xbf16>,
        tpu.vector_store %arg14[%swap3A_285, %swap3A_286], %select_n3A_282 {strides = array<i32>} : memref<448x32xbf16, #tpu.memory_space<vmem>>, vector<32xbf16>,
        %add3A_288 = arith.constant 112 : i32
        %add3A_289 = arith.addi %add3A_288, %scan3A_252 : i32
        %swap3A_290 = arith.index_cast %add3A_289 : i32 to index
        %swap3A_291 = arith.constant 0 : index
        %swap3A_292 = tpu.vector_load %arg14[%swap3A_290, %swap3A_291] {strides = array<i32>} : memref<448x32xbf16, #tpu.memory_space<vmem>>, vector<32xbf16>,
        tpu.vector_store %arg14[%swap3A_290, %swap3A_291], %select_n3A_282 {strides = array<i32>} : memref<448x32xbf16, #tpu.memory_space<vmem>>, vector<32xbf16>,
        %add3A_293 = arith.constant 224 : i32
        %add3A_294 = arith.addi %add3A_293, %scan3A_252 : i32
        %swap3A_295 = arith.index_cast %add3A_294 : i32 to index
        %swap3A_296 = arith.constant 0 : index
        %swap3A_297 = tpu.vector_load %arg14[%swap3A_295, %swap3A_296] {strides = array<i32>} : memref<448x32xbf16, #tpu.memory_space<vmem>>, vector<32xbf16>,
        tpu.vector_store %arg14[%swap3A_295, %swap3A_296], %select_n3A_282 {strides = array<i32>} : memref<448x32xbf16, #tpu.memory_space<vmem>>, vector<32xbf16>,
        %add3A_298 = arith.constant 336 : i32
        %add3A_299 = arith.addi %add3A_298, %scan3A_252 : i32
        %swap3A_300 = arith.index_cast %add3A_299 : i32 to index
        %swap3A_301 = arith.constant 0 : index
        %swap3A_302 = tpu.vector_load %arg14[%swap3A_300, %swap3A_301] {strides = array<i32>} : memref<448x32xbf16, #tpu.memory_space<vmem>>, vector<32xbf16>,
        tpu.vector_store %arg14[%swap3A_300, %swap3A_301], %select_n3A_282 {strides = array<i32>} : memref<448x32xbf16, #tpu.memory_space<vmem>>, vector<32xbf16>,
        %add3A_303 = arith.addf %add3A_249, %unpack3A_276 : vector<16xf32>
        %add3A_304 = arith.addf %add3A_250, %unpack3A_277 : vector<16xf32>
        %scan3A_305 = arith.constant 3 : i32
        %scan3A_306 = arith.addi %scan3A_144, %scan3A_305 : i32
        %get3A_307 = arith.index_cast %scan3A_306 : i32 to index
        %get3A_308 = arith.constant 0 : index
        %get3A_309 = tpu.vector_load %arg12[%get3A_307, %get3A_308] {strides = array<i32>} : memref<448x32xbf16, #tpu.memory_space<vmem>>, vector<32xbf16>,
        %add3A_310 = arith.constant 112 : i32
        %add3A_311 = arith.addi %add3A_310, %scan3A_306 : i32
        %get3A_312 = arith.index_cast %add3A_311 : i32 to index
        %get3A_313 = arith.constant 0 : index
        %get3A_314 = tpu.vector_load %arg12[%get3A_312, %get3A_313] {strides = array<i32>} : memref<448x32xbf16, #tpu.memory_space<vmem>>, vector<32xbf16>,
        %add3A_315 = arith.addf %get3A_309, %get3A_314 : vector<32xbf16>
        %add3A_316 = arith.constant 224 : i32
        %add3A_317 = arith.addi %add3A_316, %scan3A_306 : i32
        %get3A_318 = arith.index_cast %add3A_317 : i32 to index
        %get3A_319 = arith.constant 0 : index
        %get3A_320 = tpu.vector_load %arg12[%get3A_318, %get3A_319] {strides = array<i32>} : memref<448x32xbf16, #tpu.memory_space<vmem>>, vector<32xbf16>,
        %add3A_321 = arith.addf %add3A_315, %get3A_320 : vector<32xbf16>
        %add3A_322 = arith.constant 336 : i32
        %add3A_323 = arith.addi %add3A_322, %scan3A_306 : i32
        %get3A_324 = arith.index_cast %add3A_323 : i32 to index
        %get3A_325 = arith.constant 0 : index
        %get3A_326 = tpu.vector_load %arg12[%get3A_324, %get3A_325] {strides = array<i32>} : memref<448x32xbf16, #tpu.memory_space<vmem>>, vector<32xbf16>,
        %add3A_327 = arith.addf %add3A_321, %get3A_326 : vector<32xbf16>
        %min3A_328 = vector.broadcast %scan3A_38 : bf16 to vector<32xbf16>
        %min3A_329 = arith.minimumf %add3A_327, %min3A_328 : vector<32xbf16>
        %unpack3A_330 = tpu.unpack_subelements %min3A_329, 0 {pack_format = #tpu.pack_format<interleaved>} : vector<32xbf16> -> vector<16xf32>
        %unpack3A_331 = tpu.unpack_subelements %min3A_329, 1 {pack_format = #tpu.pack_format<interleaved>} : vector<32xbf16> -> vector<16xf32>
        %lt3A_332 = vector.broadcast %scan3A_38 : bf16 to vector<32xbf16>
        %lt3A_333 = arith.cmpf olt, %add3A_327, %lt3A_332 : vector<32xbf16>
        %broadcast_in_dim3A_334 = vector.broadcast %scan3A_38 : bf16 to vector<32xbf16>
        %broadcast_in_dim3A_335 = vector.broadcast %scan3A_39 : bf16 to vector<32xbf16>
        %select_n3A_336 = arith.select %lt3A_333, %broadcast_in_dim3A_334, %broadcast_in_dim3A_335 : vector<32xi1>, vector<32xbf16>
        %add3A_337 = arith.constant 0 : i32
        %add3A_338 = arith.addi %add3A_337, %scan3A_306 : i32
        %swap3A_339 = arith.index_cast %add3A_338 : i32 to index
        %swap3A_340 = arith.constant 0 : index
        %swap3A_341 = tpu.vector_load %arg14[%swap3A_339, %swap3A_340] {strides = array<i32>} : memref<448x32xbf16, #tpu.memory_space<vmem>>, vector<32xbf16>,
        tpu.vector_store %arg14[%swap3A_339, %swap3A_340], %select_n3A_336 {strides = array<i32>} : memref<448x32xbf16, #tpu.memory_space<vmem>>, vector<32xbf16>,
        %add3A_342 = arith.constant 112 : i32
        %add3A_343 = arith.addi %add3A_342, %scan3A_306 : i32
        %swap3A_344 = arith.index_cast %add3A_343 : i32 to index
        %swap3A_345 = arith.constant 0 : index
        %swap3A_346 = tpu.vector_load %arg14[%swap3A_344, %swap3A_345] {strides = array<i32>} : memref<448x32xbf16, #tpu.memory_space<vmem>>, vector<32xbf16>,
        tpu.vector_store %arg14[%swap3A_344, %swap3A_345], %select_n3A_336 {strides = array<i32>} : memref<448x32xbf16, #tpu.memory_space<vmem>>, vector<32xbf16>,
        %add3A_347 = arith.constant 224 : i32
        %add3A_348 = arith.addi %add3A_347, %scan3A_306 : i32
        %swap3A_349 = arith.index_cast %add3A_348 : i32 to index
        %swap3A_350 = arith.constant 0 : index
        %swap3A_351 = tpu.vector_load %arg14[%swap3A_349, %swap3A_350] {strides = array<i32>} : memref<448x32xbf16, #tpu.memory_space<vmem>>, vector<32xbf16>,
        tpu.vector_store %arg14[%swap3A_349, %swap3A_350], %select_n3A_336 {strides = array<i32>} : memref<448x32xbf16, #tpu.memory_space<vmem>>, vector<32xbf16>,
        %add3A_352 = arith.constant 336 : i32
        %add3A_353 = arith.addi %add3A_352, %scan3A_306 : i32
        %swap3A_354 = arith.index_cast %add3A_353 : i32 to index
        %swap3A_355 = arith.constant 0 : index
        %swap3A_356 = tpu.vector_load %arg14[%swap3A_354, %swap3A_355] {strides = array<i32>} : memref<448x32xbf16, #tpu.memory_space<vmem>>, vector<32xbf16>,
        tpu.vector_store %arg14[%swap3A_354, %swap3A_355], %select_n3A_336 {strides = array<i32>} : memref<448x32xbf16, #tpu.memory_space<vmem>>, vector<32xbf16>,
        %add3A_357 = arith.addf %add3A_303, %unpack3A_330 : vector<16xf32>
        %add3A_358 = arith.addf %add3A_304, %unpack3A_331 : vector<16xf32>
        scf.yield %add3A_357, %add3A_358 : vector<16xf32>, vector<16xf32>
      }
      %scan3A_123 = arith.constant 112 : i32
      "tpu.region"() ({
        %run_scoped3A = tpu.sem_alloc : memref<!tpu.dma_semaphore, #tpu.memory_space<semaphore_mem>>
        %dma_start3A_144 = arith.constant 0 : i32
        %dma_start3A_145 = arith.constant 0 : i32
        %dma_start3A_146 = tpu.memref_slice %arg10[%dma_start3A_144, %dma_start3A_145] : memref<50008x32xbf16, #tpu.memory_space<vmem_shared>> -> memref<50008x32xbf16, #tpu.memory_space<vmem_shared>>
        tpu.enqueue_indirect_dma source(%arg14 : memref<448x32xbf16, #tpu.memory_space<vmem>>) target(%dma_start3A_146 : memref<50008x32xbf16, #tpu.memory_space<vmem_shared>>) offsets(%arg17 : memref<448xi32, #tpu.memory_space<vmem>>) semaphore(%run_scoped3A : memref<!tpu.dma_semaphore, #tpu.memory_space<semaphore_mem>>) {add = true}
        %dma_wait3A_147 = arith.constant 0 : i32
        %dma_wait3A_148 = arith.constant 0 : i32
        %dma_wait3A_149 = tpu.memref_slice %arg10[%dma_wait3A_147, %dma_wait3A_148] : memref<50008x32xbf16, #tpu.memory_space<vmem_shared>> -> memref<50008x32xbf16, #tpu.memory_space<vmem_shared>>
        tpu.wait_indirect_dma semaphore(%run_scoped3A : memref<!tpu.dma_semaphore, #tpu.memory_space<semaphore_mem>>) src(%arg14 : memref<448x32xbf16, #tpu.memory_space<vmem>>) dst(%dma_wait3A_149 : memref<50008x32xbf16, #tpu.memory_space<vmem_shared>>)
        tpu.yield
      }) : () -> ()
      "tpu.region"() ({
        %run_scoped3A = tpu.sem_alloc : memref<!tpu.dma_semaphore, #tpu.memory_space<semaphore_mem>>
        %dma_start3A_144 = arith.constant 0 : i32
        %dma_start3A_145 = tpu.memref_slice %arg11[%dma_start3A_144] : memref<50040xf32, #tpu.memory_space<vmem_shared>> -> memref<50040xf32, #tpu.memory_space<vmem_shared>>
        tpu.enqueue_indirect_dma source(%arg16 : memref<448xf32, #tpu.memory_space<vmem>>) target(%dma_start3A_145 : memref<50040xf32, #tpu.memory_space<vmem_shared>>) offsets(%arg17 : memref<448xi32, #tpu.memory_space<vmem>>) semaphore(%run_scoped3A : memref<!tpu.dma_semaphore, #tpu.memory_space<semaphore_mem>>) {add = true}
        %dma_wait3A_146 = arith.constant 0 : i32
        %dma_wait3A_147 = tpu.memref_slice %arg11[%dma_wait3A_146] : memref<50040xf32, #tpu.memory_space<vmem_shared>> -> memref<50040xf32, #tpu.memory_space<vmem_shared>>
        tpu.wait_indirect_dma semaphore(%run_scoped3A : memref<!tpu.dma_semaphore, #tpu.memory_space<semaphore_mem>>) src(%arg16 : memref<448xf32, #tpu.memory_space<vmem>>) dst(%dma_wait3A_147 : memref<50040xf32, #tpu.memory_space<vmem_shared>>)
        tpu.yield
      }) : () -> ()
      %mul3A_124 = arith.constant 2 : i32
      %mul3A_125 = arith.muli %mul3A_124, %scan3A_103 : i32
      %add3A_126 = arith.constant 1 : i32
      %add3A_127 = arith.addi %mul3A_125, %add3A_126 : i32
      %dma_wait3A_128 = arith.constant 0 : i32
      %dma_wait3A_129 = arith.constant 0 : i32
      %dma_wait3A_130 = tpu.memref_slice %arg9[%dma_wait3A_128, %dma_wait3A_129] : memref<50008x32xbf16, #tpu.memory_space<vmem_shared>> -> memref<50008x32xbf16, #tpu.memory_space<vmem_shared>>
      tpu.wait_indirect_dma semaphore(%arg27 : memref<!tpu.dma_semaphore, #tpu.memory_space<semaphore_mem>>) src(%dma_wait3A_130 : memref<50008x32xbf16, #tpu.memory_space<vmem_shared>>) dst(%arg13 : memref<448x32xbf16, #tpu.memory_space<vmem>>)
      %add3A_131 = arith.constant 1 : i32
      %add3A_132 = arith.addi %add3A_127, %add3A_131 : i32
      %lt3A_133 = arith.constant 56 : i32
      %lt3A_134 = arith.cmpi slt, %add3A_132, %lt3A_133 : i32
      %convert_element_type3A_135 = arith.extui %lt3A_134 : i1 to i32
      %cond3A_136 = arith.constant 0 : i32
      %cond3A_137 = arith.cmpi ne, %convert_element_type3A_135, %cond3A_136 : i32
      scf.if %cond3A_137 {
        %add3A_144 = arith.addi %mul3A_31, %add3A_127 : i32
        %add3A_145 = arith.constant 1 : i32
        %add3A_146 = arith.addi %add3A_144, %add3A_145 : i32
        %mul3A_147 = arith.constant 4 : i32
        %mul3A_148 = arith.muli %add3A_146, %mul3A_147 : i32
        %mul3A_149 = arith.constant 112 : i32
        %mul3A_150 = arith.muli %mul3A_148, %mul3A_149 : i32
        "tpu.region"() ({
          %run_scoped3A = tpu.sem_alloc : memref<!tpu.dma_semaphore, #tpu.memory_space<semaphore_mem>>
          %dma_start3A_154 = tpu.memref_slice %arg4[%mul3A_150] : memref<401408xi32, #tpu.memory_space<hbm>> -> memref<448xi32, #tpu.memory_space<hbm>>
          %dma_start3A_155 = tpu.memref_slice %arg4[%mul3A_150] : memref<401408xi32, #tpu.memory_space<hbm>> -> memref<448xi32, #tpu.memory_space<hbm>>
          tpu.enqueue_dma source(%dma_start3A_155 : memref<448xi32, #tpu.memory_space<hbm>>) target(%arg17 : memref<448xi32, #tpu.memory_space<vmem>>) target_semaphore(%run_scoped3A : memref<!tpu.dma_semaphore, #tpu.memory_space<semaphore_mem>>)
          %dma_wait3A_156 = tpu.memref_slice %arg4[%mul3A_150] : memref<401408xi32, #tpu.memory_space<hbm>> -> memref<448xi32, #tpu.memory_space<hbm>>
          %dma_wait3A_157 = tpu.memref_slice %arg4[%mul3A_150] : memref<401408xi32, #tpu.memory_space<hbm>> -> memref<448xi32, #tpu.memory_space<hbm>>
          tpu.wait_dma2 semaphore(%run_scoped3A : memref<!tpu.dma_semaphore, #tpu.memory_space<semaphore_mem>>) src(%dma_wait3A_157 : memref<448xi32, #tpu.memory_space<hbm>>) dst(%arg17 : memref<448xi32, #tpu.memory_space<vmem>>)
          tpu.yield
        }) : () -> ()
        %dma_start3A_151 = arith.constant 0 : i32
        %dma_start3A_152 = arith.constant 0 : i32
        %dma_start3A_153 = tpu.memref_slice %arg9[%dma_start3A_151, %dma_start3A_152] : memref<50008x32xbf16, #tpu.memory_space<vmem_shared>> -> memref<50008x32xbf16, #tpu.memory_space<vmem_shared>>
        tpu.enqueue_indirect_dma source(%dma_start3A_153 : memref<50008x32xbf16, #tpu.memory_space<vmem_shared>>) target(%arg12 : memref<448x32xbf16, #tpu.memory_space<vmem>>) offsets(%arg17 : memref<448xi32, #tpu.memory_space<vmem>>) semaphore(%arg26 : memref<!tpu.dma_semaphore, #tpu.memory_space<semaphore_mem>>)
      } else {
      }
      %scan3A_138 = arith.constant 0 : i32
      %scan3A_139 = arith.constant 112 : i32
      %scan3A_140 = arith.addi %scan3A_138, %scan3A_139 : i32
      %scan3A_141 = arith.constant 4 : i32
      %scan3A_142:2 = scf.for %scan3A_144 = %scan3A_138 to %scan3A_140 step %scan3A_141 iter_args(%scan3A_145 = %scan3A_122#0, %scan3A_146 = %scan3A_122#1) -> (vector<16xf32>, vector<16xf32>)  : i32 {
        %get3A_147 = arith.index_cast %scan3A_144 : i32 to index
        %get3A_148 = arith.constant 0 : index
        %get3A_149 = tpu.vector_load %arg13[%get3A_147, %get3A_148] {strides = array<i32>} : memref<448x32xbf16, #tpu.memory_space<vmem>>, vector<32xbf16>,
        %add3A_150 = arith.constant 112 : i32
        %add3A_151 = arith.addi %add3A_150, %scan3A_144 : i32
        %get3A_152 = arith.index_cast %add3A_151 : i32 to index
        %get3A_153 = arith.constant 0 : index
        %get3A_154 = tpu.vector_load %arg13[%get3A_152, %get3A_153] {strides = array<i32>} : memref<448x32xbf16, #tpu.memory_space<vmem>>, vector<32xbf16>,
        %add3A_155 = arith.addf %get3A_149, %get3A_154 : vector<32xbf16>
        %add3A_156 = arith.constant 224 : i32
        %add3A_157 = arith.addi %add3A_156, %scan3A_144 : i32
        %get3A_158 = arith.index_cast %add3A_157 : i32 to index
        %get3A_159 = arith.constant 0 : index
        %get3A_160 = tpu.vector_load %arg13[%get3A_158, %get3A_159] {strides = array<i32>} : memref<448x32xbf16, #tpu.memory_space<vmem>>, vector<32xbf16>,
        %add3A_161 = arith.addf %add3A_155, %get3A_160 : vector<32xbf16>
        %add3A_162 = arith.constant 336 : i32
        %add3A_163 = arith.addi %add3A_162, %scan3A_144 : i32
        %get3A_164 = arith.index_cast %add3A_163 : i32 to index
        %get3A_165 = arith.constant 0 : index
        %get3A_166 = tpu.vector_load %arg13[%get3A_164, %get3A_165] {strides = array<i32>} : memref<448x32xbf16, #tpu.memory_space<vmem>>, vector<32xbf16>,
        %add3A_167 = arith.addf %add3A_161, %get3A_166 : vector<32xbf16>
        %min3A = vector.broadcast %scan3A_38 : bf16 to vector<32xbf16>
        %min3A_168 = arith.minimumf %add3A_167, %min3A : vector<32xbf16>
        %unpack3A = tpu.unpack_subelements %min3A_168, 0 {pack_format = #tpu.pack_format<interleaved>} : vector<32xbf16> -> vector<16xf32>
        %unpack3A_169 = tpu.unpack_subelements %min3A_168, 1 {pack_format = #tpu.pack_format<interleaved>} : vector<32xbf16> -> vector<16xf32>
        %lt3A_170 = vector.broadcast %scan3A_38 : bf16 to vector<32xbf16>
        %lt3A_171 = arith.cmpf olt, %add3A_167, %lt3A_170 : vector<32xbf16>
        %broadcast_in_dim3A_172 = vector.broadcast %scan3A_38 : bf16 to vector<32xbf16>
        %broadcast_in_dim3A_173 = vector.broadcast %scan3A_39 : bf16 to vector<32xbf16>
        %select_n3A_174 = arith.select %lt3A_171, %broadcast_in_dim3A_172, %broadcast_in_dim3A_173 : vector<32xi1>, vector<32xbf16>
        %add3A_175 = arith.constant 0 : i32
        %add3A_176 = arith.addi %add3A_175, %scan3A_144 : i32
        %swap3A_177 = arith.index_cast %add3A_176 : i32 to index
        %swap3A_178 = arith.constant 0 : index
        %swap3A_179 = tpu.vector_load %arg14[%swap3A_177, %swap3A_178] {strides = array<i32>} : memref<448x32xbf16, #tpu.memory_space<vmem>>, vector<32xbf16>,
        tpu.vector_store %arg14[%swap3A_177, %swap3A_178], %select_n3A_174 {strides = array<i32>} : memref<448x32xbf16, #tpu.memory_space<vmem>>, vector<32xbf16>,
        %add3A_180 = arith.constant 112 : i32
        %add3A_181 = arith.addi %add3A_180, %scan3A_144 : i32
        %swap3A_182 = arith.index_cast %add3A_181 : i32 to index
        %swap3A_183 = arith.constant 0 : index
        %swap3A_184 = tpu.vector_load %arg14[%swap3A_182, %swap3A_183] {strides = array<i32>} : memref<448x32xbf16, #tpu.memory_space<vmem>>, vector<32xbf16>,
        tpu.vector_store %arg14[%swap3A_182, %swap3A_183], %select_n3A_174 {strides = array<i32>} : memref<448x32xbf16, #tpu.memory_space<vmem>>, vector<32xbf16>,
        %add3A_185 = arith.constant 224 : i32
        %add3A_186 = arith.addi %add3A_185, %scan3A_144 : i32
        %swap3A_187 = arith.index_cast %add3A_186 : i32 to index
        %swap3A_188 = arith.constant 0 : index
        %swap3A_189 = tpu.vector_load %arg14[%swap3A_187, %swap3A_188] {strides = array<i32>} : memref<448x32xbf16, #tpu.memory_space<vmem>>, vector<32xbf16>,
        tpu.vector_store %arg14[%swap3A_187, %swap3A_188], %select_n3A_174 {strides = array<i32>} : memref<448x32xbf16, #tpu.memory_space<vmem>>, vector<32xbf16>,
        %add3A_190 = arith.constant 336 : i32
        %add3A_191 = arith.addi %add3A_190, %scan3A_144 : i32
        %swap3A_192 = arith.index_cast %add3A_191 : i32 to index
        %swap3A_193 = arith.constant 0 : index
        %swap3A_194 = tpu.vector_load %arg14[%swap3A_192, %swap3A_193] {strides = array<i32>} : memref<448x32xbf16, #tpu.memory_space<vmem>>, vector<32xbf16>,
        tpu.vector_store %arg14[%swap3A_192, %swap3A_193], %select_n3A_174 {strides = array<i32>} : memref<448x32xbf16, #tpu.memory_space<vmem>>, vector<32xbf16>,
        %add3A_195 = arith.addf %scan3A_145, %unpack3A : vector<16xf32>
        %add3A_196 = arith.addf %scan3A_146, %unpack3A_169 : vector<16xf32>
        %scan3A_197 = arith.constant 1 : i32
        %scan3A_198 = arith.addi %scan3A_144, %scan3A_197 : i32
        %get3A_199 = arith.index_cast %scan3A_198 : i32 to index
        %get3A_200 = arith.constant 0 : index
        %get3A_201 = tpu.vector_load %arg13[%get3A_199, %get3A_200] {strides = array<i32>} : memref<448x32xbf16, #tpu.memory_space<vmem>>, vector<32xbf16>,
        %add3A_202 = arith.constant 112 : i32
        %add3A_203 = arith.addi %add3A_202, %scan3A_198 : i32
        %get3A_204 = arith.index_cast %add3A_203 : i32 to index
        %get3A_205 = arith.constant 0 : index
        %get3A_206 = tpu.vector_load %arg13[%get3A_204, %get3A_205] {strides = array<i32>} : memref<448x32xbf16, #tpu.memory_space<vmem>>, vector<32xbf16>,
        %add3A_207 = arith.addf %get3A_201, %get3A_206 : vector<32xbf16>
        %add3A_208 = arith.constant 224 : i32
        %add3A_209 = arith.addi %add3A_208, %scan3A_198 : i32
        %get3A_210 = arith.index_cast %add3A_209 : i32 to index
        %get3A_211 = arith.constant 0 : index
        %get3A_212 = tpu.vector_load %arg13[%get3A_210, %get3A_211] {strides = array<i32>} : memref<448x32xbf16, #tpu.memory_space<vmem>>, vector<32xbf16>,
        %add3A_213 = arith.addf %add3A_207, %get3A_212 : vector<32xbf16>
        %add3A_214 = arith.constant 336 : i32
        %add3A_215 = arith.addi %add3A_214, %scan3A_198 : i32
        %get3A_216 = arith.index_cast %add3A_215 : i32 to index
        %get3A_217 = arith.constant 0 : index
        %get3A_218 = tpu.vector_load %arg13[%get3A_216, %get3A_217] {strides = array<i32>} : memref<448x32xbf16, #tpu.memory_space<vmem>>, vector<32xbf16>,
        %add3A_219 = arith.addf %add3A_213, %get3A_218 : vector<32xbf16>
        %min3A_220 = vector.broadcast %scan3A_38 : bf16 to vector<32xbf16>
        %min3A_221 = arith.minimumf %add3A_219, %min3A_220 : vector<32xbf16>
        %unpack3A_222 = tpu.unpack_subelements %min3A_221, 0 {pack_format = #tpu.pack_format<interleaved>} : vector<32xbf16> -> vector<16xf32>
        %unpack3A_223 = tpu.unpack_subelements %min3A_221, 1 {pack_format = #tpu.pack_format<interleaved>} : vector<32xbf16> -> vector<16xf32>
        %lt3A_224 = vector.broadcast %scan3A_38 : bf16 to vector<32xbf16>
        %lt3A_225 = arith.cmpf olt, %add3A_219, %lt3A_224 : vector<32xbf16>
        %broadcast_in_dim3A_226 = vector.broadcast %scan3A_38 : bf16 to vector<32xbf16>
        %broadcast_in_dim3A_227 = vector.broadcast %scan3A_39 : bf16 to vector<32xbf16>
        %select_n3A_228 = arith.select %lt3A_225, %broadcast_in_dim3A_226, %broadcast_in_dim3A_227 : vector<32xi1>, vector<32xbf16>
        %add3A_229 = arith.constant 0 : i32
        %add3A_230 = arith.addi %add3A_229, %scan3A_198 : i32
        %swap3A_231 = arith.index_cast %add3A_230 : i32 to index
        %swap3A_232 = arith.constant 0 : index
        %swap3A_233 = tpu.vector_load %arg14[%swap3A_231, %swap3A_232] {strides = array<i32>} : memref<448x32xbf16, #tpu.memory_space<vmem>>, vector<32xbf16>,
        tpu.vector_store %arg14[%swap3A_231, %swap3A_232], %select_n3A_228 {strides = array<i32>} : memref<448x32xbf16, #tpu.memory_space<vmem>>, vector<32xbf16>,
        %add3A_234 = arith.constant 112 : i32
        %add3A_235 = arith.addi %add3A_234, %scan3A_198 : i32
        %swap3A_236 = arith.index_cast %add3A_235 : i32 to index
        %swap3A_237 = arith.constant 0 : index
        %swap3A_238 = tpu.vector_load %arg14[%swap3A_236, %swap3A_237] {strides = array<i32>} : memref<448x32xbf16, #tpu.memory_space<vmem>>, vector<32xbf16>,
        tpu.vector_store %arg14[%swap3A_236, %swap3A_237], %select_n3A_228 {strides = array<i32>} : memref<448x32xbf16, #tpu.memory_space<vmem>>, vector<32xbf16>,
        %add3A_239 = arith.constant 224 : i32
        %add3A_240 = arith.addi %add3A_239, %scan3A_198 : i32
        %swap3A_241 = arith.index_cast %add3A_240 : i32 to index
        %swap3A_242 = arith.constant 0 : index
        %swap3A_243 = tpu.vector_load %arg14[%swap3A_241, %swap3A_242] {strides = array<i32>} : memref<448x32xbf16, #tpu.memory_space<vmem>>, vector<32xbf16>,
        tpu.vector_store %arg14[%swap3A_241, %swap3A_242], %select_n3A_228 {strides = array<i32>} : memref<448x32xbf16, #tpu.memory_space<vmem>>, vector<32xbf16>,
        %add3A_244 = arith.constant 336 : i32
        %add3A_245 = arith.addi %add3A_244, %scan3A_198 : i32
        %swap3A_246 = arith.index_cast %add3A_245 : i32 to index
        %swap3A_247 = arith.constant 0 : index
        %swap3A_248 = tpu.vector_load %arg14[%swap3A_246, %swap3A_247] {strides = array<i32>} : memref<448x32xbf16, #tpu.memory_space<vmem>>, vector<32xbf16>,
        tpu.vector_store %arg14[%swap3A_246, %swap3A_247], %select_n3A_228 {strides = array<i32>} : memref<448x32xbf16, #tpu.memory_space<vmem>>, vector<32xbf16>,
        %add3A_249 = arith.addf %add3A_195, %unpack3A_222 : vector<16xf32>
        %add3A_250 = arith.addf %add3A_196, %unpack3A_223 : vector<16xf32>
        %scan3A_251 = arith.constant 2 : i32
        %scan3A_252 = arith.addi %scan3A_144, %scan3A_251 : i32
        %get3A_253 = arith.index_cast %scan3A_252 : i32 to index
        %get3A_254 = arith.constant 0 : index
        %get3A_255 = tpu.vector_load %arg13[%get3A_253, %get3A_254] {strides = array<i32>} : memref<448x32xbf16, #tpu.memory_space<vmem>>, vector<32xbf16>,
        %add3A_256 = arith.constant 112 : i32
        %add3A_257 = arith.addi %add3A_256, %scan3A_252 : i32
        %get3A_258 = arith.index_cast %add3A_257 : i32 to index
        %get3A_259 = arith.constant 0 : index
        %get3A_260 = tpu.vector_load %arg13[%get3A_258, %get3A_259] {strides = array<i32>} : memref<448x32xbf16, #tpu.memory_space<vmem>>, vector<32xbf16>,
        %add3A_261 = arith.addf %get3A_255, %get3A_260 : vector<32xbf16>
        %add3A_262 = arith.constant 224 : i32
        %add3A_263 = arith.addi %add3A_262, %scan3A_252 : i32
        %get3A_264 = arith.index_cast %add3A_263 : i32 to index
        %get3A_265 = arith.constant 0 : index
        %get3A_266 = tpu.vector_load %arg13[%get3A_264, %get3A_265] {strides = array<i32>} : memref<448x32xbf16, #tpu.memory_space<vmem>>, vector<32xbf16>,
        %add3A_267 = arith.addf %add3A_261, %get3A_266 : vector<32xbf16>
        %add3A_268 = arith.constant 336 : i32
        %add3A_269 = arith.addi %add3A_268, %scan3A_252 : i32
        %get3A_270 = arith.index_cast %add3A_269 : i32 to index
        %get3A_271 = arith.constant 0 : index
        %get3A_272 = tpu.vector_load %arg13[%get3A_270, %get3A_271] {strides = array<i32>} : memref<448x32xbf16, #tpu.memory_space<vmem>>, vector<32xbf16>,
        %add3A_273 = arith.addf %add3A_267, %get3A_272 : vector<32xbf16>
        %min3A_274 = vector.broadcast %scan3A_38 : bf16 to vector<32xbf16>
        %min3A_275 = arith.minimumf %add3A_273, %min3A_274 : vector<32xbf16>
        %unpack3A_276 = tpu.unpack_subelements %min3A_275, 0 {pack_format = #tpu.pack_format<interleaved>} : vector<32xbf16> -> vector<16xf32>
        %unpack3A_277 = tpu.unpack_subelements %min3A_275, 1 {pack_format = #tpu.pack_format<interleaved>} : vector<32xbf16> -> vector<16xf32>
        %lt3A_278 = vector.broadcast %scan3A_38 : bf16 to vector<32xbf16>
        %lt3A_279 = arith.cmpf olt, %add3A_273, %lt3A_278 : vector<32xbf16>
        %broadcast_in_dim3A_280 = vector.broadcast %scan3A_38 : bf16 to vector<32xbf16>
        %broadcast_in_dim3A_281 = vector.broadcast %scan3A_39 : bf16 to vector<32xbf16>
        %select_n3A_282 = arith.select %lt3A_279, %broadcast_in_dim3A_280, %broadcast_in_dim3A_281 : vector<32xi1>, vector<32xbf16>
        %add3A_283 = arith.constant 0 : i32
        %add3A_284 = arith.addi %add3A_283, %scan3A_252 : i32
        %swap3A_285 = arith.index_cast %add3A_284 : i32 to index
        %swap3A_286 = arith.constant 0 : index
        %swap3A_287 = tpu.vector_load %arg14[%swap3A_285, %swap3A_286] {strides = array<i32>} : memref<448x32xbf16, #tpu.memory_space<vmem>>, vector<32xbf16>,
        tpu.vector_store %arg14[%swap3A_285, %swap3A_286], %select_n3A_282 {strides = array<i32>} : memref<448x32xbf16, #tpu.memory_space<vmem>>, vector<32xbf16>,
        %add3A_288 = arith.constant 112 : i32
        %add3A_289 = arith.addi %add3A_288, %scan3A_252 : i32
        %swap3A_290 = arith.index_cast %add3A_289 : i32 to index
        %swap3A_291 = arith.constant 0 : index
        %swap3A_292 = tpu.vector_load %arg14[%swap3A_290, %swap3A_291] {strides = array<i32>} : memref<448x32xbf16, #tpu.memory_space<vmem>>, vector<32xbf16>,
        tpu.vector_store %arg14[%swap3A_290, %swap3A_291], %select_n3A_282 {strides = array<i32>} : memref<448x32xbf16, #tpu.memory_space<vmem>>, vector<32xbf16>,
        %add3A_293 = arith.constant 224 : i32
        %add3A_294 = arith.addi %add3A_293, %scan3A_252 : i32
        %swap3A_295 = arith.index_cast %add3A_294 : i32 to index
        %swap3A_296 = arith.constant 0 : index
        %swap3A_297 = tpu.vector_load %arg14[%swap3A_295, %swap3A_296] {strides = array<i32>} : memref<448x32xbf16, #tpu.memory_space<vmem>>, vector<32xbf16>,
        tpu.vector_store %arg14[%swap3A_295, %swap3A_296], %select_n3A_282 {strides = array<i32>} : memref<448x32xbf16, #tpu.memory_space<vmem>>, vector<32xbf16>,
        %add3A_298 = arith.constant 336 : i32
        %add3A_299 = arith.addi %add3A_298, %scan3A_252 : i32
        %swap3A_300 = arith.index_cast %add3A_299 : i32 to index
        %swap3A_301 = arith.constant 0 : index
        %swap3A_302 = tpu.vector_load %arg14[%swap3A_300, %swap3A_301] {strides = array<i32>} : memref<448x32xbf16, #tpu.memory_space<vmem>>, vector<32xbf16>,
        tpu.vector_store %arg14[%swap3A_300, %swap3A_301], %select_n3A_282 {strides = array<i32>} : memref<448x32xbf16, #tpu.memory_space<vmem>>, vector<32xbf16>,
        %add3A_303 = arith.addf %add3A_249, %unpack3A_276 : vector<16xf32>
        %add3A_304 = arith.addf %add3A_250, %unpack3A_277 : vector<16xf32>
        %scan3A_305 = arith.constant 3 : i32
        %scan3A_306 = arith.addi %scan3A_144, %scan3A_305 : i32
        %get3A_307 = arith.index_cast %scan3A_306 : i32 to index
        %get3A_308 = arith.constant 0 : index
        %get3A_309 = tpu.vector_load %arg13[%get3A_307, %get3A_308] {strides = array<i32>} : memref<448x32xbf16, #tpu.memory_space<vmem>>, vector<32xbf16>,
        %add3A_310 = arith.constant 112 : i32
        %add3A_311 = arith.addi %add3A_310, %scan3A_306 : i32
        %get3A_312 = arith.index_cast %add3A_311 : i32 to index
        %get3A_313 = arith.constant 0 : index
        %get3A_314 = tpu.vector_load %arg13[%get3A_312, %get3A_313] {strides = array<i32>} : memref<448x32xbf16, #tpu.memory_space<vmem>>, vector<32xbf16>,
        %add3A_315 = arith.addf %get3A_309, %get3A_314 : vector<32xbf16>
        %add3A_316 = arith.constant 224 : i32
        %add3A_317 = arith.addi %add3A_316, %scan3A_306 : i32
        %get3A_318 = arith.index_cast %add3A_317 : i32 to index
        %get3A_319 = arith.constant 0 : index
        %get3A_320 = tpu.vector_load %arg13[%get3A_318, %get3A_319] {strides = array<i32>} : memref<448x32xbf16, #tpu.memory_space<vmem>>, vector<32xbf16>,
        %add3A_321 = arith.addf %add3A_315, %get3A_320 : vector<32xbf16>
        %add3A_322 = arith.constant 336 : i32
        %add3A_323 = arith.addi %add3A_322, %scan3A_306 : i32
        %get3A_324 = arith.index_cast %add3A_323 : i32 to index
        %get3A_325 = arith.constant 0 : index
        %get3A_326 = tpu.vector_load %arg13[%get3A_324, %get3A_325] {strides = array<i32>} : memref<448x32xbf16, #tpu.memory_space<vmem>>, vector<32xbf16>,
        %add3A_327 = arith.addf %add3A_321, %get3A_326 : vector<32xbf16>
        %min3A_328 = vector.broadcast %scan3A_38 : bf16 to vector<32xbf16>
        %min3A_329 = arith.minimumf %add3A_327, %min3A_328 : vector<32xbf16>
        %unpack3A_330 = tpu.unpack_subelements %min3A_329, 0 {pack_format = #tpu.pack_format<interleaved>} : vector<32xbf16> -> vector<16xf32>
        %unpack3A_331 = tpu.unpack_subelements %min3A_329, 1 {pack_format = #tpu.pack_format<interleaved>} : vector<32xbf16> -> vector<16xf32>
        %lt3A_332 = vector.broadcast %scan3A_38 : bf16 to vector<32xbf16>
        %lt3A_333 = arith.cmpf olt, %add3A_327, %lt3A_332 : vector<32xbf16>
        %broadcast_in_dim3A_334 = vector.broadcast %scan3A_38 : bf16 to vector<32xbf16>
        %broadcast_in_dim3A_335 = vector.broadcast %scan3A_39 : bf16 to vector<32xbf16>
        %select_n3A_336 = arith.select %lt3A_333, %broadcast_in_dim3A_334, %broadcast_in_dim3A_335 : vector<32xi1>, vector<32xbf16>
        %add3A_337 = arith.constant 0 : i32
        %add3A_338 = arith.addi %add3A_337, %scan3A_306 : i32
        %swap3A_339 = arith.index_cast %add3A_338 : i32 to index
        %swap3A_340 = arith.constant 0 : index
        %swap3A_341 = tpu.vector_load %arg14[%swap3A_339, %swap3A_340] {strides = array<i32>} : memref<448x32xbf16, #tpu.memory_space<vmem>>, vector<32xbf16>,
        tpu.vector_store %arg14[%swap3A_339, %swap3A_340], %select_n3A_336 {strides = array<i32>} : memref<448x32xbf16, #tpu.memory_space<vmem>>, vector<32xbf16>,
        %add3A_342 = arith.constant 112 : i32
        %add3A_343 = arith.addi %add3A_342, %scan3A_306 : i32
        %swap3A_344 = arith.index_cast %add3A_343 : i32 to index
        %swap3A_345 = arith.constant 0 : index
        %swap3A_346 = tpu.vector_load %arg14[%swap3A_344, %swap3A_345] {strides = array<i32>} : memref<448x32xbf16, #tpu.memory_space<vmem>>, vector<32xbf16>,
        tpu.vector_store %arg14[%swap3A_344, %swap3A_345], %select_n3A_336 {strides = array<i32>} : memref<448x32xbf16, #tpu.memory_space<vmem>>, vector<32xbf16>,
        %add3A_347 = arith.constant 224 : i32
        %add3A_348 = arith.addi %add3A_347, %scan3A_306 : i32
        %swap3A_349 = arith.index_cast %add3A_348 : i32 to index
        %swap3A_350 = arith.constant 0 : index
        %swap3A_351 = tpu.vector_load %arg14[%swap3A_349, %swap3A_350] {strides = array<i32>} : memref<448x32xbf16, #tpu.memory_space<vmem>>, vector<32xbf16>,
        tpu.vector_store %arg14[%swap3A_349, %swap3A_350], %select_n3A_336 {strides = array<i32>} : memref<448x32xbf16, #tpu.memory_space<vmem>>, vector<32xbf16>,
        %add3A_352 = arith.constant 336 : i32
        %add3A_353 = arith.addi %add3A_352, %scan3A_306 : i32
        %swap3A_354 = arith.index_cast %add3A_353 : i32 to index
        %swap3A_355 = arith.constant 0 : index
        %swap3A_356 = tpu.vector_load %arg14[%swap3A_354, %swap3A_355] {strides = array<i32>} : memref<448x32xbf16, #tpu.memory_space<vmem>>, vector<32xbf16>,
        tpu.vector_store %arg14[%swap3A_354, %swap3A_355], %select_n3A_336 {strides = array<i32>} : memref<448x32xbf16, #tpu.memory_space<vmem>>, vector<32xbf16>,
        %add3A_357 = arith.addf %add3A_303, %unpack3A_330 : vector<16xf32>
        %add3A_358 = arith.addf %add3A_304, %unpack3A_331 : vector<16xf32>
        scf.yield %add3A_357, %add3A_358 : vector<16xf32>, vector<16xf32>
      }
      %scan3A_143 = arith.constant 112 : i32
      "tpu.region"() ({
        %run_scoped3A = tpu.sem_alloc : memref<!tpu.dma_semaphore, #tpu.memory_space<semaphore_mem>>
        %dma_start3A_144 = arith.constant 0 : i32
        %dma_start3A_145 = arith.constant 0 : i32
        %dma_start3A_146 = tpu.memref_slice %arg10[%dma_start3A_144, %dma_start3A_145] : memref<50008x32xbf16, #tpu.memory_space<vmem_shared>> -> memref<50008x32xbf16, #tpu.memory_space<vmem_shared>>
        tpu.enqueue_indirect_dma source(%arg14 : memref<448x32xbf16, #tpu.memory_space<vmem>>) target(%dma_start3A_146 : memref<50008x32xbf16, #tpu.memory_space<vmem_shared>>) offsets(%arg18 : memref<448xi32, #tpu.memory_space<vmem>>) semaphore(%run_scoped3A : memref<!tpu.dma_semaphore, #tpu.memory_space<semaphore_mem>>) {add = true}
        %dma_wait3A_147 = arith.constant 0 : i32
        %dma_wait3A_148 = arith.constant 0 : i32
        %dma_wait3A_149 = tpu.memref_slice %arg10[%dma_wait3A_147, %dma_wait3A_148] : memref<50008x32xbf16, #tpu.memory_space<vmem_shared>> -> memref<50008x32xbf16, #tpu.memory_space<vmem_shared>>
        tpu.wait_indirect_dma semaphore(%run_scoped3A : memref<!tpu.dma_semaphore, #tpu.memory_space<semaphore_mem>>) src(%arg14 : memref<448x32xbf16, #tpu.memory_space<vmem>>) dst(%dma_wait3A_149 : memref<50008x32xbf16, #tpu.memory_space<vmem_shared>>)
        tpu.yield
      }) : () -> ()
      "tpu.region"() ({
        %run_scoped3A = tpu.sem_alloc : memref<!tpu.dma_semaphore, #tpu.memory_space<semaphore_mem>>
        %dma_start3A_144 = arith.constant 0 : i32
        %dma_start3A_145 = tpu.memref_slice %arg11[%dma_start3A_144] : memref<50040xf32, #tpu.memory_space<vmem_shared>> -> memref<50040xf32, #tpu.memory_space<vmem_shared>>
        tpu.enqueue_indirect_dma source(%arg16 : memref<448xf32, #tpu.memory_space<vmem>>) target(%dma_start3A_145 : memref<50040xf32, #tpu.memory_space<vmem_shared>>) offsets(%arg18 : memref<448xi32, #tpu.memory_space<vmem>>) semaphore(%run_scoped3A : memref<!tpu.dma_semaphore, #tpu.memory_space<semaphore_mem>>) {add = true}
        %dma_wait3A_146 = arith.constant 0 : i32
        %dma_wait3A_147 = tpu.memref_slice %arg11[%dma_wait3A_146] : memref<50040xf32, #tpu.memory_space<vmem_shared>> -> memref<50040xf32, #tpu.memory_space<vmem_shared>>
        tpu.wait_indirect_dma semaphore(%run_scoped3A : memref<!tpu.dma_semaphore, #tpu.memory_space<semaphore_mem>>) src(%arg16 : memref<448xf32, #tpu.memory_space<vmem>>) dst(%dma_wait3A_147 : memref<50040xf32, #tpu.memory_space<vmem_shared>>)
        tpu.yield
      }) : () -> ()
      scf.yield %scan3A_142#0, %scan3A_142#1 : vector<16xf32>, vector<16xf32>
    }
    %scan3A_45 = arith.constant 28 : i32
    %swap3A = arith.constant 0 : index
    %swap3A_46 = tpu.vector_load %arg20[%swap3A] {strides = array<i32>} : memref<32xf32, #tpu.memory_space<vmem>>, vector<16xf32>,
    tpu.vector_store %arg20[%swap3A], %scan3A_44#0 {strides = array<i32>} : memref<32xf32, #tpu.memory_space<vmem>>, vector<16xf32>,
    %swap3A_47 = arith.constant 16 : index
    %swap3A_48 = tpu.vector_load %arg20[%swap3A_47] {strides = array<i32>} : memref<32xf32, #tpu.memory_space<vmem>>, vector<16xf32>,
    tpu.vector_store %arg20[%swap3A_47], %scan3A_44#1 {strides = array<i32>} : memref<32xf32, #tpu.memory_space<vmem>>, vector<16xf32>,
    "tpu.region"() ({
      %run_scoped3A = tpu.sem_alloc : memref<!tpu.dma_semaphore, #tpu.memory_space<semaphore_mem>>
      %dma_start3A_103 = arith.constant 0 : i32
      %dma_start3A_104 = tpu.memref_slice %arg11[%dma_start3A_103] : memref<50040xf32, #tpu.memory_space<vmem_shared>> -> memref<50040xf32, #tpu.memory_space<vmem_shared>>
      tpu.enqueue_indirect_dma source(%arg20 : memref<32xf32, #tpu.memory_space<vmem>>) target(%dma_start3A_104 : memref<50040xf32, #tpu.memory_space<vmem_shared>>) offsets(%arg21 : memref<32xi32, #tpu.memory_space<vmem>>) semaphore(%run_scoped3A : memref<!tpu.dma_semaphore, #tpu.memory_space<semaphore_mem>>) {add = true}
      %dma_wait3A = arith.constant 0 : i32
      %dma_wait3A_105 = tpu.memref_slice %arg11[%dma_wait3A] : memref<50040xf32, #tpu.memory_space<vmem_shared>> -> memref<50040xf32, #tpu.memory_space<vmem_shared>>
      tpu.wait_indirect_dma semaphore(%run_scoped3A : memref<!tpu.dma_semaphore, #tpu.memory_space<semaphore_mem>>) src(%arg20 : memref<32xf32, #tpu.memory_space<vmem>>) dst(%dma_wait3A_105 : memref<50040xf32, #tpu.memory_space<vmem_shared>>)
      tpu.yield
    }) : () -> ()
    %barrier3A_49 = arith.constant 0 : index
    tpu.barrier barrier_id(%barrier3A_49)
    "tpu.region"() ({
      %run_scoped3A = tpu.sem_alloc : memref<!tpu.dma_semaphore, #tpu.memory_space<semaphore_mem>>
      %dma_start3A_103 = arith.constant 50008 : i32
      %dma_start3A_104 = tpu.memref_slice %arg11[%dma_start3A_103] : memref<50040xf32, #tpu.memory_space<vmem_shared>> -> memref<32xf32, #tpu.memory_space<vmem_shared>>
      %dma_start3A_105 = arith.constant 50008 : i32
      %dma_start3A_106 = tpu.memref_slice %arg11[%dma_start3A_105] : memref<50040xf32, #tpu.memory_space<vmem_shared>> -> memref<32xf32, #tpu.memory_space<vmem_shared>>
      tpu.enqueue_dma source(%dma_start3A_106 : memref<32xf32, #tpu.memory_space<vmem_shared>>) target(%arg20 : memref<32xf32, #tpu.memory_space<vmem>>) target_semaphore(%run_scoped3A : memref<!tpu.dma_semaphore, #tpu.memory_space<semaphore_mem>>)
      %dma_wait3A = arith.constant 50008 : i32
      %dma_wait3A_107 = tpu.memref_slice %arg11[%dma_wait3A] : memref<50040xf32, #tpu.memory_space<vmem_shared>> -> memref<32xf32, #tpu.memory_space<vmem_shared>>
      %dma_wait3A_108 = arith.constant 50008 : i32
      %dma_wait3A_109 = tpu.memref_slice %arg11[%dma_wait3A_108] : memref<50040xf32, #tpu.memory_space<vmem_shared>> -> memref<32xf32, #tpu.memory_space<vmem_shared>>
      tpu.wait_dma2 semaphore(%run_scoped3A : memref<!tpu.dma_semaphore, #tpu.memory_space<semaphore_mem>>) src(%dma_wait3A_109 : memref<32xf32, #tpu.memory_space<vmem_shared>>) dst(%arg20 : memref<32xf32, #tpu.memory_space<vmem>>)
      tpu.yield
    }) : () -> ()
    %get3A = arith.constant 0 : index
    %get3A_50 = tpu.vector_load %arg20[%get3A] {strides = array<i32>} : memref<32xf32, #tpu.memory_space<vmem>>, vector<16xf32>,
    %get3A_51 = arith.constant 16 : index
    %get3A_52 = tpu.vector_load %arg20[%get3A_51] {strides = array<i32>} : memref<32xf32, #tpu.memory_space<vmem>>, vector<16xf32>,
    %mul3A_53 = arith.constant 9.99999974E-6 : f32
    %mul3A_54 = vector.broadcast %mul3A_53 : f32 to vector<16xf32>
    %mul3A_55 = arith.mulf %get3A_50, %mul3A_54 : vector<16xf32>
    %mul3A_56 = arith.constant 9.99999974E-6 : f32
    %mul3A_57 = vector.broadcast %mul3A_56 : f32 to vector<16xf32>
    %mul3A_58 = arith.mulf %get3A_52, %mul3A_57 : vector<16xf32>
    %get3A_59 = arith.constant 0 : i32
    %get3A_60 = arith.index_cast %get3A_59 : i32 to index
    %get3A_61 = arith.constant 0 : index
    %get3A_62 = tpu.vector_load %arg19[%get3A_60, %get3A_61] {strides = array<i32>} : memref<1x32xf32, #tpu.memory_space<vmem>>, vector<16xf32>,
    %get3A_63 = arith.constant 0 : i32
    %get3A_64 = arith.index_cast %get3A_63 : i32 to index
    %get3A_65 = arith.constant 16 : index
    %get3A_66 = tpu.vector_load %arg19[%get3A_64, %get3A_65] {strides = array<i32>} : memref<1x32xf32, #tpu.memory_space<vmem>>, vector<16xf32>,
    %sub3A = arith.subf %get3A_62, %mul3A_55 : vector<16xf32>
    %sub3A_67 = arith.subf %get3A_66, %mul3A_58 : vector<16xf32>
    %abs3A = math.absf %sub3A : vector<16xf32>
    %gt3A = arith.constant 1.000000e-03 : f32
    %gt3A_68 = vector.broadcast %gt3A : f32 to vector<16xf32>
    %gt3A_69 = arith.cmpf ogt, %abs3A, %gt3A_68 : vector<16xf32>
    %jit3A_70 = arith.constant 0.000000e+00 : f32
    %broadcast_in_dim3A_71 = vector.broadcast %jit3A_70 : f32 to vector<16xf32>
    %select_n3A_72 = arith.select %gt3A_69, %sub3A, %broadcast_in_dim3A_71 : vector<16xi1>, vector<16xf32>
    %mul3A_73 = arith.constant 9.99999974E-6 : f32
    %mul3A_74 = vector.broadcast %mul3A_73 : f32 to vector<16xf32>
    %mul3A_75 = arith.mulf %select_n3A_72, %mul3A_74 : vector<16xf32>
    %abs3A_76 = math.absf %sub3A_67 : vector<16xf32>
    %gt3A_77 = arith.constant 1.000000e-03 : f32
    %gt3A_78 = vector.broadcast %gt3A_77 : f32 to vector<16xf32>
    %gt3A_79 = arith.cmpf ogt, %abs3A_76, %gt3A_78 : vector<16xf32>
    %jit3A_80 = arith.constant 0.000000e+00 : f32
    %broadcast_in_dim3A_81 = vector.broadcast %jit3A_80 : f32 to vector<16xf32>
    %select_n3A_82 = arith.select %gt3A_79, %sub3A_67, %broadcast_in_dim3A_81 : vector<16xi1>, vector<16xf32>
    %mul3A_83 = arith.constant 9.99999974E-6 : f32
    %mul3A_84 = vector.broadcast %mul3A_83 : f32 to vector<16xf32>
    %mul3A_85 = arith.mulf %select_n3A_82, %mul3A_84 : vector<16xf32>
    %lt3A_86 = arith.constant 2 : i32
    %lt3A_87 = arith.cmpi slt, %arg1, %lt3A_86 : i32
    %jit3A_88 = arith.constant 79 : i32
    %jit3A_89 = arith.constant 78 : i32
    %select_n3A_90 = arith.select %lt3A_87, %jit3A_88, %jit3A_89 : i32
    %while3A_91 = arith.constant 0 : i32
    %while3A_92 = arith.constant 0 : i32
    %while3A_93 = arith.subi %select_n3A_90, %while3A_91 : i32
    %while3A_94 = arith.addi %while3A_91, %while3A_93 : i32
    %while3A_95 = arith.constant 1 : i32
    %while3A_96 = arith.divsi %while3A_93, %while3A_95 : i32
    %while3A_97 = arith.muli %while3A_96, %while3A_95 : i32
    %while3A_98 = arith.addi %while3A_91, %while3A_97 : i32
    %while3A_99 = arith.constant 1 : i32
    %while3A_100 = scf.for %while3A_103 = %while3A_91 to %while3A_98 step %while3A_99 iter_args(%while3A_104 = %while3A_92) -> (i32)  : i32 {
      %mul3A_105 = arith.constant 16 : i32
      %mul3A_106 = arith.muli %while3A_103, %mul3A_105 : i32
      %add3A = arith.addi %arg1, %mul3A_106 : i32
      %mul3A_107 = arith.constant 40 : i32
      %mul3A_108 = arith.muli %add3A, %mul3A_107 : i32
      "tpu.region"() ({
        %run_scoped3A = tpu.sem_alloc : memref<!tpu.dma_semaphore, #tpu.memory_space<semaphore_mem>>
        %dma_start3A_123 = arith.constant 0 : i32
        %dma_start3A_124 = tpu.memref_slice %arg10[%mul3A_108, %dma_start3A_123] : memref<50008x32xbf16, #tpu.memory_space<vmem_shared>> -> memref<40x32xbf16, #tpu.memory_space<vmem_shared>>
        %dma_start3A_125 = arith.constant 0 : i32
        %dma_start3A_126 = tpu.memref_slice %arg10[%mul3A_108, %dma_start3A_125] : memref<50008x32xbf16, #tpu.memory_space<vmem_shared>> -> memref<40x32xbf16, #tpu.memory_space<vmem_shared>>
        tpu.enqueue_dma source(%dma_start3A_126 : memref<40x32xbf16, #tpu.memory_space<vmem_shared>>) target(%arg22 : memref<40x32xbf16, #tpu.memory_space<vmem>>) target_semaphore(%run_scoped3A : memref<!tpu.dma_semaphore, #tpu.memory_space<semaphore_mem>>)
        %dma_wait3A = arith.constant 0 : i32
        %dma_wait3A_127 = tpu.memref_slice %arg10[%mul3A_108, %dma_wait3A] : memref<50008x32xbf16, #tpu.memory_space<vmem_shared>> -> memref<40x32xbf16, #tpu.memory_space<vmem_shared>>
        %dma_wait3A_128 = arith.constant 0 : i32
        %dma_wait3A_129 = tpu.memref_slice %arg10[%mul3A_108, %dma_wait3A_128] : memref<50008x32xbf16, #tpu.memory_space<vmem_shared>> -> memref<40x32xbf16, #tpu.memory_space<vmem_shared>>
        tpu.wait_dma2 semaphore(%run_scoped3A : memref<!tpu.dma_semaphore, #tpu.memory_space<semaphore_mem>>) src(%dma_wait3A_129 : memref<40x32xbf16, #tpu.memory_space<vmem_shared>>) dst(%arg22 : memref<40x32xbf16, #tpu.memory_space<vmem>>)
        tpu.yield
      }) : () -> ()
      "tpu.region"() ({
        %run_scoped3A = tpu.sem_alloc : memref<!tpu.dma_semaphore, #tpu.memory_space<semaphore_mem>>
        %dma_start3A_123 = arith.constant 0 : i32
        %dma_start3A_124 = tpu.memref_slice %arg23[%dma_start3A_123] : memref<56xf32, #tpu.memory_space<vmem>> -> memref<40xf32, #tpu.memory_space<vmem>>
        %dma_start3A_125 = tpu.memref_slice %arg11[%mul3A_108] : memref<50040xf32, #tpu.memory_space<vmem_shared>> -> memref<40xf32, #tpu.memory_space<vmem_shared>>
        %dma_start3A_126 = arith.constant 0 : i32
        %dma_start3A_127 = tpu.memref_slice %arg23[%dma_start3A_126] : memref<56xf32, #tpu.memory_space<vmem>> -> memref<40xf32, #tpu.memory_space<vmem>>
        %dma_start3A_128 = tpu.memref_slice %arg11[%mul3A_108] : memref<50040xf32, #tpu.memory_space<vmem_shared>> -> memref<40xf32, #tpu.memory_space<vmem_shared>>
        tpu.enqueue_dma source(%dma_start3A_128 : memref<40xf32, #tpu.memory_space<vmem_shared>>) target(%dma_start3A_127 : memref<40xf32, #tpu.memory_space<vmem>>) target_semaphore(%run_scoped3A : memref<!tpu.dma_semaphore, #tpu.memory_space<semaphore_mem>>)
        %dma_wait3A = arith.constant 0 : i32
        %dma_wait3A_129 = tpu.memref_slice %arg23[%dma_wait3A] : memref<56xf32, #tpu.memory_space<vmem>> -> memref<40xf32, #tpu.memory_space<vmem>>
        %dma_wait3A_130 = tpu.memref_slice %arg11[%mul3A_108] : memref<50040xf32, #tpu.memory_space<vmem_shared>> -> memref<40xf32, #tpu.memory_space<vmem_shared>>
        %dma_wait3A_131 = arith.constant 0 : i32
        %dma_wait3A_132 = tpu.memref_slice %arg23[%dma_wait3A_131] : memref<56xf32, #tpu.memory_space<vmem>> -> memref<40xf32, #tpu.memory_space<vmem>>
        %dma_wait3A_133 = tpu.memref_slice %arg11[%mul3A_108] : memref<50040xf32, #tpu.memory_space<vmem_shared>> -> memref<40xf32, #tpu.memory_space<vmem_shared>>
        tpu.wait_dma2 semaphore(%run_scoped3A : memref<!tpu.dma_semaphore, #tpu.memory_space<semaphore_mem>>) src(%dma_wait3A_133 : memref<40xf32, #tpu.memory_space<vmem_shared>>) dst(%dma_wait3A_132 : memref<40xf32, #tpu.memory_space<vmem>>)
        tpu.yield
      }) : () -> ()
      %mul3A_109 = arith.constant 50000 : i32
      %mul3A_110 = arith.muli %arg0, %mul3A_109 : i32
      %add3A_111 = arith.addi %mul3A_110, %mul3A_108 : i32
      "tpu.region"() ({
        %run_scoped3A = tpu.sem_alloc : memref<!tpu.dma_semaphore, #tpu.memory_space<semaphore_mem>>
        %dma_start3A_123 = arith.constant 0 : i32
        %dma_start3A_124 = tpu.memref_slice %arg2[%add3A_111, %dma_start3A_123] : memref<100008x32xf32, #tpu.memory_space<hbm>> -> memref<40x32xf32, #tpu.memory_space<hbm>>
        %dma_start3A_125 = arith.constant 0 : i32
        %dma_start3A_126 = tpu.memref_slice %arg2[%add3A_111, %dma_start3A_125] : memref<100008x32xf32, #tpu.memory_space<hbm>> -> memref<40x32xf32, #tpu.memory_space<hbm>>
        tpu.enqueue_dma source(%dma_start3A_126 : memref<40x32xf32, #tpu.memory_space<hbm>>) target(%arg24 : memref<40x32xf32, #tpu.memory_space<vmem>>) target_semaphore(%run_scoped3A : memref<!tpu.dma_semaphore, #tpu.memory_space<semaphore_mem>>)
        %dma_wait3A = arith.constant 0 : i32
        %dma_wait3A_127 = tpu.memref_slice %arg2[%add3A_111, %dma_wait3A] : memref<100008x32xf32, #tpu.memory_space<hbm>> -> memref<40x32xf32, #tpu.memory_space<hbm>>
        %dma_wait3A_128 = arith.constant 0 : i32
        %dma_wait3A_129 = tpu.memref_slice %arg2[%add3A_111, %dma_wait3A_128] : memref<100008x32xf32, #tpu.memory_space<hbm>> -> memref<40x32xf32, #tpu.memory_space<hbm>>
        tpu.wait_dma2 semaphore(%run_scoped3A : memref<!tpu.dma_semaphore, #tpu.memory_space<semaphore_mem>>) src(%dma_wait3A_129 : memref<40x32xf32, #tpu.memory_space<hbm>>) dst(%arg24 : memref<40x32xf32, #tpu.memory_space<vmem>>)
        tpu.yield
      }) : () -> ()
      %scan3A_112 = arith.constant 0 : i32
      %scan3A_113 = arith.constant 0 : i32
      %scan3A_114 = arith.constant 40 : i32
      %scan3A_115 = arith.addi %scan3A_113, %scan3A_114 : i32
      %scan3A_116 = arith.constant 1 : i32
      %scan3A_117 = scf.for %scan3A_123 = %scan3A_113 to %scan3A_115 step %scan3A_116 iter_args(%scan3A_124 = %scan3A_112) -> (i32)  : i32 {
        %get3A_125 = arith.index_cast %scan3A_123 : i32 to index
        %get3A_126 = tpu.vector_load %arg23[%get3A_125] {strides = array<i32>} : memref<56xf32, #tpu.memory_space<vmem>>, vector<16xf32>,
        %slice3A = vector.extract_strided_slice %get3A_126 {offsets = [0], sizes = [1], strides = [1]} : vector<16xf32> to vector<1xf32>
        %squeeze3A = vector.extract %slice3A[0] : f32 from vector<1xf32>
        %broadcast_in_dim3A_127 = vector.broadcast %squeeze3A : f32 to vector<16xf32>
        %max3A = arith.constant 1.000000e+00 : f32
        %max3A_128 = vector.broadcast %max3A : f32 to vector<16xf32>
        %max3A_129 = arith.maximumf %broadcast_in_dim3A_127, %max3A_128 : vector<16xf32>
        %div3A = arith.constant 1.000000e+00 : f32
        %div3A_130 = vector.broadcast %div3A : f32 to vector<16xf32>
        %div3A_131 = arith.divf %div3A_130, %max3A_129 : vector<16xf32>
        %get3A_132 = arith.index_cast %scan3A_123 : i32 to index
        %get3A_133 = arith.constant 0 : index
        %get3A_134 = tpu.vector_load %arg22[%get3A_132, %get3A_133] {strides = array<i32>} : memref<40x32xbf16, #tpu.memory_space<vmem>>, vector<32xbf16>,
        %unpack3A = tpu.unpack_subelements %get3A_134, 0 {pack_format = #tpu.pack_format<interleaved>} : vector<32xbf16> -> vector<16xf32>
        %unpack3A_135 = tpu.unpack_subelements %get3A_134, 1 {pack_format = #tpu.pack_format<interleaved>} : vector<32xbf16> -> vector<16xf32>
        %get3A_136 = arith.index_cast %scan3A_123 : i32 to index
        %get3A_137 = arith.constant 0 : index
        %get3A_138 = tpu.vector_load %arg24[%get3A_136, %get3A_137] {strides = array<i32>} : memref<40x32xf32, #tpu.memory_space<vmem>>, vector<16xf32>,
        %mul3A_139 = arith.mulf %unpack3A, %mul3A_75 : vector<16xf32>
        %mul3A_140 = arith.mulf %mul3A_139, %div3A_131 : vector<16xf32>
        %add3A_141 = arith.addf %get3A_138, %mul3A_140 : vector<16xf32>
        %get3A_142 = arith.index_cast %scan3A_123 : i32 to index
        %get3A_143 = arith.constant 16 : index
        %get3A_144 = tpu.vector_load %arg24[%get3A_142, %get3A_143] {strides = array<i32>} : memref<40x32xf32, #tpu.memory_space<vmem>>, vector<16xf32>,
        %mul3A_145 = arith.mulf %unpack3A_135, %mul3A_85 : vector<16xf32>
        %mul3A_146 = arith.mulf %mul3A_145, %div3A_131 : vector<16xf32>
        %add3A_147 = arith.addf %get3A_144, %mul3A_146 : vector<16xf32>
        %max3A_148 = arith.constant 0.000000e+00 : f32
        %max3A_149 = vector.broadcast %max3A_148 : f32 to vector<16xf32>
        %max3A_150 = arith.maximumf %add3A_141, %max3A_149 : vector<16xf32>
        %min3A = arith.constant 1.000000e+00 : f32
        %min3A_151 = vector.broadcast %min3A : f32 to vector<16xf32>
        %min3A_152 = arith.minimumf %max3A_150, %min3A_151 : vector<16xf32>
        %swap3A_153 = arith.index_cast %scan3A_123 : i32 to index
        %swap3A_154 = arith.constant 0 : index
        %swap3A_155 = tpu.vector_load %arg25[%swap3A_153, %swap3A_154] {strides = array<i32>} : memref<40x32xf32, #tpu.memory_space<vmem>>, vector<16xf32>,
        tpu.vector_store %arg25[%swap3A_153, %swap3A_154], %min3A_152 {strides = array<i32>} : memref<40x32xf32, #tpu.memory_space<vmem>>, vector<16xf32>,
        %max3A_156 = arith.constant 0.000000e+00 : f32
        %max3A_157 = vector.broadcast %max3A_156 : f32 to vector<16xf32>
        %max3A_158 = arith.maximumf %add3A_147, %max3A_157 : vector<16xf32>
        %min3A_159 = arith.constant 1.000000e+00 : f32
        %min3A_160 = vector.broadcast %min3A_159 : f32 to vector<16xf32>
        %min3A_161 = arith.minimumf %max3A_158, %min3A_160 : vector<16xf32>
        %swap3A_162 = arith.index_cast %scan3A_123 : i32 to index
        %swap3A_163 = arith.constant 16 : index
        %swap3A_164 = tpu.vector_load %arg25[%swap3A_162, %swap3A_163] {strides = array<i32>} : memref<40x32xf32, #tpu.memory_space<vmem>>, vector<16xf32>,
        tpu.vector_store %arg25[%swap3A_162, %swap3A_163], %min3A_161 {strides = array<i32>} : memref<40x32xf32, #tpu.memory_space<vmem>>, vector<16xf32>,
        %scan3A_165 = arith.constant 0 : i32
        scf.yield %scan3A_165 : i32
      }
      %scan3A_118 = arith.constant 40 : i32
      %mul3A_119 = arith.constant 50000 : i32
      %mul3A_120 = arith.muli %arg0, %mul3A_119 : i32
      %add3A_121 = arith.addi %mul3A_120, %mul3A_108 : i32
      "tpu.region"() ({
        %run_scoped3A = tpu.sem_alloc : memref<!tpu.dma_semaphore, #tpu.memory_space<semaphore_mem>>
        %dma_start3A_123 = arith.constant 0 : i32
        %dma_start3A_124 = tpu.memref_slice %arg8[%add3A_121, %dma_start3A_123] : memref<100000x32xf32, #tpu.memory_space<hbm>> -> memref<40x32xf32, #tpu.memory_space<hbm>>
        %dma_start3A_125 = arith.constant 0 : i32
        %dma_start3A_126 = tpu.memref_slice %arg8[%add3A_121, %dma_start3A_125] : memref<100000x32xf32, #tpu.memory_space<hbm>> -> memref<40x32xf32, #tpu.memory_space<hbm>>
        tpu.enqueue_dma source(%arg25 : memref<40x32xf32, #tpu.memory_space<vmem>>) target(%dma_start3A_126 : memref<40x32xf32, #tpu.memory_space<hbm>>) target_semaphore(%run_scoped3A : memref<!tpu.dma_semaphore, #tpu.memory_space<semaphore_mem>>)
        %dma_wait3A = arith.constant 0 : i32
        %dma_wait3A_127 = tpu.memref_slice %arg8[%add3A_121, %dma_wait3A] : memref<100000x32xf32, #tpu.memory_space<hbm>> -> memref<40x32xf32, #tpu.memory_space<hbm>>
        %dma_wait3A_128 = arith.constant 0 : i32
        %dma_wait3A_129 = tpu.memref_slice %arg8[%add3A_121, %dma_wait3A_128] : memref<100000x32xf32, #tpu.memory_space<hbm>> -> memref<40x32xf32, #tpu.memory_space<hbm>>
        tpu.wait_dma2 semaphore(%run_scoped3A : memref<!tpu.dma_semaphore, #tpu.memory_space<semaphore_mem>>) src(%arg25 : memref<40x32xf32, #tpu.memory_space<vmem>>) dst(%dma_wait3A_129 : memref<40x32xf32, #tpu.memory_space<hbm>>)
        tpu.yield
      }) : () -> ()
      %while3A_122 = arith.constant 0 : i32
      scf.yield %while3A_122 : i32
    }
    %while3A_101 = arith.constant 1 : i32
    %while3A_102 = scf.for %while3A_103 = %while3A_98 to %while3A_94 step %while3A_101 iter_args(%while3A_104 = %while3A_100) -> (i32)  : i32 {
      %mul3A_105 = arith.constant 16 : i32
      %mul3A_106 = arith.muli %while3A_103, %mul3A_105 : i32
      %add3A = arith.addi %arg1, %mul3A_106 : i32
      %mul3A_107 = arith.constant 40 : i32
      %mul3A_108 = arith.muli %add3A, %mul3A_107 : i32
      "tpu.region"() ({
        %run_scoped3A = tpu.sem_alloc : memref<!tpu.dma_semaphore, #tpu.memory_space<semaphore_mem>>
        %dma_start3A_123 = arith.constant 0 : i32
        %dma_start3A_124 = tpu.memref_slice %arg10[%mul3A_108, %dma_start3A_123] : memref<50008x32xbf16, #tpu.memory_space<vmem_shared>> -> memref<40x32xbf16, #tpu.memory_space<vmem_shared>>
        %dma_start3A_125 = arith.constant 0 : i32
        %dma_start3A_126 = tpu.memref_slice %arg10[%mul3A_108, %dma_start3A_125] : memref<50008x32xbf16, #tpu.memory_space<vmem_shared>> -> memref<40x32xbf16, #tpu.memory_space<vmem_shared>>
        tpu.enqueue_dma source(%dma_start3A_126 : memref<40x32xbf16, #tpu.memory_space<vmem_shared>>) target(%arg22 : memref<40x32xbf16, #tpu.memory_space<vmem>>) target_semaphore(%run_scoped3A : memref<!tpu.dma_semaphore, #tpu.memory_space<semaphore_mem>>)
        %dma_wait3A = arith.constant 0 : i32
        %dma_wait3A_127 = tpu.memref_slice %arg10[%mul3A_108, %dma_wait3A] : memref<50008x32xbf16, #tpu.memory_space<vmem_shared>> -> memref<40x32xbf16, #tpu.memory_space<vmem_shared>>
        %dma_wait3A_128 = arith.constant 0 : i32
        %dma_wait3A_129 = tpu.memref_slice %arg10[%mul3A_108, %dma_wait3A_128] : memref<50008x32xbf16, #tpu.memory_space<vmem_shared>> -> memref<40x32xbf16, #tpu.memory_space<vmem_shared>>
        tpu.wait_dma2 semaphore(%run_scoped3A : memref<!tpu.dma_semaphore, #tpu.memory_space<semaphore_mem>>) src(%dma_wait3A_129 : memref<40x32xbf16, #tpu.memory_space<vmem_shared>>) dst(%arg22 : memref<40x32xbf16, #tpu.memory_space<vmem>>)
        tpu.yield
      }) : () -> ()
      "tpu.region"() ({
        %run_scoped3A = tpu.sem_alloc : memref<!tpu.dma_semaphore, #tpu.memory_space<semaphore_mem>>
        %dma_start3A_123 = arith.constant 0 : i32
        %dma_start3A_124 = tpu.memref_slice %arg23[%dma_start3A_123] : memref<56xf32, #tpu.memory_space<vmem>> -> memref<40xf32, #tpu.memory_space<vmem>>
        %dma_start3A_125 = tpu.memref_slice %arg11[%mul3A_108] : memref<50040xf32, #tpu.memory_space<vmem_shared>> -> memref<40xf32, #tpu.memory_space<vmem_shared>>
        %dma_start3A_126 = arith.constant 0 : i32
        %dma_start3A_127 = tpu.memref_slice %arg23[%dma_start3A_126] : memref<56xf32, #tpu.memory_space<vmem>> -> memref<40xf32, #tpu.memory_space<vmem>>
        %dma_start3A_128 = tpu.memref_slice %arg11[%mul3A_108] : memref<50040xf32, #tpu.memory_space<vmem_shared>> -> memref<40xf32, #tpu.memory_space<vmem_shared>>
        tpu.enqueue_dma source(%dma_start3A_128 : memref<40xf32, #tpu.memory_space<vmem_shared>>) target(%dma_start3A_127 : memref<40xf32, #tpu.memory_space<vmem>>) target_semaphore(%run_scoped3A : memref<!tpu.dma_semaphore, #tpu.memory_space<semaphore_mem>>)
        %dma_wait3A = arith.constant 0 : i32
        %dma_wait3A_129 = tpu.memref_slice %arg23[%dma_wait3A] : memref<56xf32, #tpu.memory_space<vmem>> -> memref<40xf32, #tpu.memory_space<vmem>>
        %dma_wait3A_130 = tpu.memref_slice %arg11[%mul3A_108] : memref<50040xf32, #tpu.memory_space<vmem_shared>> -> memref<40xf32, #tpu.memory_space<vmem_shared>>
        %dma_wait3A_131 = arith.constant 0 : i32
        %dma_wait3A_132 = tpu.memref_slice %arg23[%dma_wait3A_131] : memref<56xf32, #tpu.memory_space<vmem>> -> memref<40xf32, #tpu.memory_space<vmem>>
        %dma_wait3A_133 = tpu.memref_slice %arg11[%mul3A_108] : memref<50040xf32, #tpu.memory_space<vmem_shared>> -> memref<40xf32, #tpu.memory_space<vmem_shared>>
        tpu.wait_dma2 semaphore(%run_scoped3A : memref<!tpu.dma_semaphore, #tpu.memory_space<semaphore_mem>>) src(%dma_wait3A_133 : memref<40xf32, #tpu.memory_space<vmem_shared>>) dst(%dma_wait3A_132 : memref<40xf32, #tpu.memory_space<vmem>>)
        tpu.yield
      }) : () -> ()
      %mul3A_109 = arith.constant 50000 : i32
      %mul3A_110 = arith.muli %arg0, %mul3A_109 : i32
      %add3A_111 = arith.addi %mul3A_110, %mul3A_108 : i32
      "tpu.region"() ({
        %run_scoped3A = tpu.sem_alloc : memref<!tpu.dma_semaphore, #tpu.memory_space<semaphore_mem>>
        %dma_start3A_123 = arith.constant 0 : i32
        %dma_start3A_124 = tpu.memref_slice %arg2[%add3A_111, %dma_start3A_123] : memref<100008x32xf32, #tpu.memory_space<hbm>> -> memref<40x32xf32, #tpu.memory_space<hbm>>
        %dma_start3A_125 = arith.constant 0 : i32
        %dma_start3A_126 = tpu.memref_slice %arg2[%add3A_111, %dma_start3A_125] : memref<100008x32xf32, #tpu.memory_space<hbm>> -> memref<40x32xf32, #tpu.memory_space<hbm>>
        tpu.enqueue_dma source(%dma_start3A_126 : memref<40x32xf32, #tpu.memory_space<hbm>>) target(%arg24 : memref<40x32xf32, #tpu.memory_space<vmem>>) target_semaphore(%run_scoped3A : memref<!tpu.dma_semaphore, #tpu.memory_space<semaphore_mem>>)
        %dma_wait3A = arith.constant 0 : i32
        %dma_wait3A_127 = tpu.memref_slice %arg2[%add3A_111, %dma_wait3A] : memref<100008x32xf32, #tpu.memory_space<hbm>> -> memref<40x32xf32, #tpu.memory_space<hbm>>
        %dma_wait3A_128 = arith.constant 0 : i32
        %dma_wait3A_129 = tpu.memref_slice %arg2[%add3A_111, %dma_wait3A_128] : memref<100008x32xf32, #tpu.memory_space<hbm>> -> memref<40x32xf32, #tpu.memory_space<hbm>>
        tpu.wait_dma2 semaphore(%run_scoped3A : memref<!tpu.dma_semaphore, #tpu.memory_space<semaphore_mem>>) src(%dma_wait3A_129 : memref<40x32xf32, #tpu.memory_space<hbm>>) dst(%arg24 : memref<40x32xf32, #tpu.memory_space<vmem>>)
        tpu.yield
      }) : () -> ()
      %scan3A_112 = arith.constant 0 : i32
      %scan3A_113 = arith.constant 0 : i32
      %scan3A_114 = arith.constant 40 : i32
      %scan3A_115 = arith.addi %scan3A_113, %scan3A_114 : i32
      %scan3A_116 = arith.constant 1 : i32
      %scan3A_117 = scf.for %scan3A_123 = %scan3A_113 to %scan3A_115 step %scan3A_116 iter_args(%scan3A_124 = %scan3A_112) -> (i32)  : i32 {
        %get3A_125 = arith.index_cast %scan3A_123 : i32 to index
        %get3A_126 = tpu.vector_load %arg23[%get3A_125] {strides = array<i32>} : memref<56xf32, #tpu.memory_space<vmem>>, vector<16xf32>,
        %slice3A = vector.extract_strided_slice %get3A_126 {offsets = [0], sizes = [1], strides = [1]} : vector<16xf32> to vector<1xf32>
        %squeeze3A = vector.extract %slice3A[0] : f32 from vector<1xf32>
        %broadcast_in_dim3A_127 = vector.broadcast %squeeze3A : f32 to vector<16xf32>
        %max3A = arith.constant 1.000000e+00 : f32
        %max3A_128 = vector.broadcast %max3A : f32 to vector<16xf32>
        %max3A_129 = arith.maximumf %broadcast_in_dim3A_127, %max3A_128 : vector<16xf32>
        %div3A = arith.constant 1.000000e+00 : f32
        %div3A_130 = vector.broadcast %div3A : f32 to vector<16xf32>
        %div3A_131 = arith.divf %div3A_130, %max3A_129 : vector<16xf32>
        %get3A_132 = arith.index_cast %scan3A_123 : i32 to index
        %get3A_133 = arith.constant 0 : index
        %get3A_134 = tpu.vector_load %arg22[%get3A_132, %get3A_133] {strides = array<i32>} : memref<40x32xbf16, #tpu.memory_space<vmem>>, vector<32xbf16>,
        %unpack3A = tpu.unpack_subelements %get3A_134, 0 {pack_format = #tpu.pack_format<interleaved>} : vector<32xbf16> -> vector<16xf32>
        %unpack3A_135 = tpu.unpack_subelements %get3A_134, 1 {pack_format = #tpu.pack_format<interleaved>} : vector<32xbf16> -> vector<16xf32>
        %get3A_136 = arith.index_cast %scan3A_123 : i32 to index
        %get3A_137 = arith.constant 0 : index
        %get3A_138 = tpu.vector_load %arg24[%get3A_136, %get3A_137] {strides = array<i32>} : memref<40x32xf32, #tpu.memory_space<vmem>>, vector<16xf32>,
        %mul3A_139 = arith.mulf %unpack3A, %mul3A_75 : vector<16xf32>
        %mul3A_140 = arith.mulf %mul3A_139, %div3A_131 : vector<16xf32>
        %add3A_141 = arith.addf %get3A_138, %mul3A_140 : vector<16xf32>
        %get3A_142 = arith.index_cast %scan3A_123 : i32 to index
        %get3A_143 = arith.constant 16 : index
        %get3A_144 = tpu.vector_load %arg24[%get3A_142, %get3A_143] {strides = array<i32>} : memref<40x32xf32, #tpu.memory_space<vmem>>, vector<16xf32>,
        %mul3A_145 = arith.mulf %unpack3A_135, %mul3A_85 : vector<16xf32>
        %mul3A_146 = arith.mulf %mul3A_145, %div3A_131 : vector<16xf32>
        %add3A_147 = arith.addf %get3A_144, %mul3A_146 : vector<16xf32>
        %max3A_148 = arith.constant 0.000000e+00 : f32
        %max3A_149 = vector.broadcast %max3A_148 : f32 to vector<16xf32>
        %max3A_150 = arith.maximumf %add3A_141, %max3A_149 : vector<16xf32>
        %min3A = arith.constant 1.000000e+00 : f32
        %min3A_151 = vector.broadcast %min3A : f32 to vector<16xf32>
        %min3A_152 = arith.minimumf %max3A_150, %min3A_151 : vector<16xf32>
        %swap3A_153 = arith.index_cast %scan3A_123 : i32 to index
        %swap3A_154 = arith.constant 0 : index
        %swap3A_155 = tpu.vector_load %arg25[%swap3A_153, %swap3A_154] {strides = array<i32>} : memref<40x32xf32, #tpu.memory_space<vmem>>, vector<16xf32>,
        tpu.vector_store %arg25[%swap3A_153, %swap3A_154], %min3A_152 {strides = array<i32>} : memref<40x32xf32, #tpu.memory_space<vmem>>, vector<16xf32>,
        %max3A_156 = arith.constant 0.000000e+00 : f32
        %max3A_157 = vector.broadcast %max3A_156 : f32 to vector<16xf32>
        %max3A_158 = arith.maximumf %add3A_147, %max3A_157 : vector<16xf32>
        %min3A_159 = arith.constant 1.000000e+00 : f32
        %min3A_160 = vector.broadcast %min3A_159 : f32 to vector<16xf32>
        %min3A_161 = arith.minimumf %max3A_158, %min3A_160 : vector<16xf32>
        %swap3A_162 = arith.index_cast %scan3A_123 : i32 to index
        %swap3A_163 = arith.constant 16 : index
        %swap3A_164 = tpu.vector_load %arg25[%swap3A_162, %swap3A_163] {strides = array<i32>} : memref<40x32xf32, #tpu.memory_space<vmem>>, vector<16xf32>,
        tpu.vector_store %arg25[%swap3A_162, %swap3A_163], %min3A_161 {strides = array<i32>} : memref<40x32xf32, #tpu.memory_space<vmem>>, vector<16xf32>,
        %scan3A_165 = arith.constant 0 : i32
        scf.yield %scan3A_165 : i32
      }
      %scan3A_118 = arith.constant 40 : i32
      %mul3A_119 = arith.constant 50000 : i32
      %mul3A_120 = arith.muli %arg0, %mul3A_119 : i32
      %add3A_121 = arith.addi %mul3A_120, %mul3A_108 : i32
      "tpu.region"() ({
        %run_scoped3A = tpu.sem_alloc : memref<!tpu.dma_semaphore, #tpu.memory_space<semaphore_mem>>
        %dma_start3A_123 = arith.constant 0 : i32
        %dma_start3A_124 = tpu.memref_slice %arg8[%add3A_121, %dma_start3A_123] : memref<100000x32xf32, #tpu.memory_space<hbm>> -> memref<40x32xf32, #tpu.memory_space<hbm>>
        %dma_start3A_125 = arith.constant 0 : i32
        %dma_start3A_126 = tpu.memref_slice %arg8[%add3A_121, %dma_start3A_125] : memref<100000x32xf32, #tpu.memory_space<hbm>> -> memref<40x32xf32, #tpu.memory_space<hbm>>
        tpu.enqueue_dma source(%arg25 : memref<40x32xf32, #tpu.memory_space<vmem>>) target(%dma_start3A_126 : memref<40x32xf32, #tpu.memory_space<hbm>>) target_semaphore(%run_scoped3A : memref<!tpu.dma_semaphore, #tpu.memory_space<semaphore_mem>>)
        %dma_wait3A = arith.constant 0 : i32
        %dma_wait3A_127 = tpu.memref_slice %arg8[%add3A_121, %dma_wait3A] : memref<100000x32xf32, #tpu.memory_space<hbm>> -> memref<40x32xf32, #tpu.memory_space<hbm>>
        %dma_wait3A_128 = arith.constant 0 : i32
        %dma_wait3A_129 = tpu.memref_slice %arg8[%add3A_121, %dma_wait3A_128] : memref<100000x32xf32, #tpu.memory_space<hbm>> -> memref<40x32xf32, #tpu.memory_space<hbm>>
        tpu.wait_dma2 semaphore(%run_scoped3A : memref<!tpu.dma_semaphore, #tpu.memory_space<semaphore_mem>>) src(%arg25 : memref<40x32xf32, #tpu.memory_space<vmem>>) dst(%dma_wait3A_129 : memref<40x32xf32, #tpu.memory_space<hbm>>)
        tpu.yield
      }) : () -> ()
      %while3A_122 = arith.constant 0 : i32
      scf.yield %while3A_122 : i32
    }
    return
  }
}

</mosaic_0001>

<sc_bundles>
// kernel: kernel.3.cloned.1.call-start
scs
__scs_entry_jumppad:
0x0: {  	(pc) =	sbr.rel $0x88, $3  }
0x1: {  	(tag) =	ssettag $0x0;
	lr =	simm.s32 $0x1  }
0x2: {  	[smem:$0x3F9E] =	sst lr;
	_ =	strace $0xD0000000  }
0x3: {  	_ = 	snop  }
0x4: {  	_ = 	snop  }
0x5: {  	_ = 	snop  }
0x6: {  	_ = 	snop  }
0x7: {  	_ = 	snop  }
__scs_overlays_trampoline_lowered:
0x8: {  	[smem:$0x3FAD] =	sst s0  }
0x9: {  	[smem:$0x3FAE] =	sst s1  }
0xa: {  	[smem:$0x3FAF] =	sst s2  }
0xb: {  	[smem:$0x3FB0] =	sst s3  }
0xc: {  	[smem:$0x3FB1] =	sst s4  }
0xd: {  	[smem:$0x3FB2] =	sst s5  }
0xe: {  	[smem:$0x3FB3] =	sst s6  }
0xf: {  	[smem:$0x3FB4] =	sst s7  }
0x10: {  	[smem:$0x3FB5] =	sst s8  }
0x11: {  	[smem:$0x3FB6] =	sst s9;
	s0 =	simm.s32 @!p0 $0x0  }
0x12: {  	s1 =	sld [smem:$0x3F9C];
	s0 =	simm.s32 @p0 $0x1  }
0x13: {  	[smem:$0x3FB7] =	sst s0;
	s0 =	simm.s32 @!p1 $0x0  }
0x14: {  	s2 =	sld [smem:$0x3F9B];
	s0 =	simm.s32 @p1 $0x1  }
0x15: {  	[smem:$0x3FB8] =	sst s0;
	s0 =	simm.s32 @!p2 $0x0  }
0x16: {  	s3 =	sld [smem:$0x3FDB];
	s0 =	simm.s32 @p2 $0x1  }
0x17: {  	s4 =	simm.s32 $0x1BF5;
	[smem:$0x3FBA] =	sst s0  }
0x18: {  	s0 =	sld [smem:$0x3F9D];
	_ =	swait.ge [sflag:s4], $0x0  }
0x19: {  	s7 =	sld [smem:$0x3F9E]  }
0x1a: {  	s8 =	sadd.s32 $0xFFFFE003, lr  }
0x1b: {  	s9 =	sadd.s32 $0xFFFFFEF7, lr;
	s5 =	simm.s32 $0xFFFFFFFF;
	p2 =	slt.u32 s8, $0xFFFFF086  }
0x1c: {  	p1 =	slt.u32 s9, $0xF7A;
	s5 =	simm.s32 @!p2 $0x0  }
0x1d: {  	s5 =	simm.s32 @p1 $0x1;
	p0 =	seq.s32 s7, s2  }
0x1e: {  	s7 =	smul.u32 @!p0 $0xF7A, s2;
	p2 =	seq.s32 @!p0 s5, $0x0  }
0x1f: {  	s9 =	smul.u32 $0xF7A, s1;
	s8 =	simm.s32 @!p0 $0x1BF5;
	p2 =	por !p2, p0  }
0x20: {  	[sflag:s8] =	ssyncset.s32 @!p0 $0xFFFFF086;
	s6 =	sadd.s32 @!p0 s3, s7;
	s7 =	simm.s32 @!p0 $0x108  }
0x21: {  	s3 =	sadd.s32 s3, s9;
	s6 =	sadd.s32 @!p0 $0x88, s6;
	s7 =	simm.s32 @p2 $0x1082  }
0x22: {  	[simem:s7], [sflag:s8] =	dma.local @!p0 [hbm:s6], $0xF7A  }
0x23: {  	s9 =	sor.u32 $0xD0000000, s2;
	s6 =	simm.s32 $0x108;
	_ =	swait.ge @!p0 [sflag:s8], $0x0  }
0x24: {  	s3 =	sadd.s32 $0x88, s3;
	s6 =	simm.s32 @!p1 $0x1082;
	[sflag:s4] =	ssyncset.s32 $0xFFFFF086  }
0x25: {  	[simem:s6], [sflag:s4] =	dma.local [hbm:s3], $0xF7A  }
0x26: {  	[smem:$0x3F9E] =	sst s1;
	(tag) =	ssettag s2;
	_ =	strace s9  }
0x27: {  	s1 =	sld [smem:$0x3FAE]  }
0x28: {  	s2 =	sld [smem:$0x3FAF]  }
0x29: {  	s4 =	sld [smem:$0x3FB1]  }
0x2a: {  	p0 =	seq.s32 s5, $0x0;
	s5 =	sld [smem:$0x3FB2]  }
0x2b: {  	s6 =	sld [smem:$0x3FB3]  }
0x2c: {  	s7 =	sld [smem:$0x3FB4]  }
0x2d: {  	s3 =	simm.s32 $0x108;
	s8 =	sld [smem:$0x3FB5]  }
0x2e: {  	s3 =	simm.s32 @!p0 $0x1082;
	s9 =	sld [smem:$0x3FB6]  }
0x2f: {  	lr =	sadd.s32 s0, s3;
	s0 =	sld [smem:$0x3FAD]  }
0x30: {  	s3 =	sld [smem:$0x3FB0]  }
0x31: {  	[smem:$0x3FB9] =	sst s10  }
0x32: {  	s10 =	sld [smem:$0x3FB7];
	_ =	sdelay $0x3  }
0x33: {  	p0 =	seq.s32 s10, $0x1;
	s10 =	sld [smem:$0x3FB9];
	_ =	sdelay $0x3  }
0x34: {  	[smem:$0x3FB9] =	sst s10  }
0x35: {  	s10 =	sld [smem:$0x3FB8];
	_ =	sdelay $0x3  }
0x36: {  	p1 =	seq.s32 s10, $0x1;
	s10 =	sld [smem:$0x3FB9];
	_ =	sdelay $0x3  }
0x37: {  	[smem:$0x3FB9] =	sst s10  }
0x38: {  	s10 =	sld [smem:$0x3FBA]  }
0x39: {  	_ = 	snop;
	(pc) =	sbr.ind lr, $3  }
0x3a: {  	_ = 	snop  }
0x3b: {  	_ = 	snop  }
0x3c: {  	p2 =	seq.s32 s10, $0x1;
	s10 =	sld [smem:$0x3FB9]  }
0x3d: {  	_ =	shalt  }
0x3e: {  	_ =	shalt  }
0x3f: {  	_ =	shalt  }
0x40: {  	_ =	shalt  }
0x41: {  	_ =	shalt  }
0x42: {  	_ =	shalt  }
0x43: {  	_ =	shalt  }
0x44: {  	_ =	shalt  }
0x45: {  	_ =	shalt  }
0x46: {  	_ =	shalt  }
0x47: {  	_ =	shalt  }
0x48: {  	_ =	shalt  }
0x49: {  	_ =	shalt  }
0x4a: {  	_ =	shalt  }
0x4b: {  	_ =	shalt  }
0x4c: {  	_ =	shalt  }
0x4d: {  	_ =	shalt  }
0x4e: {  	_ =	shalt  }
0x4f: {  	_ =	shalt  }
0x50: {  	_ =	shalt  }
0x51: {  	_ =	shalt  }
0x52: {  	_ =	shalt  }
0x53: {  	_ =	shalt  }
0x54: {  	_ =	shalt  }
0x55: {  	_ =	shalt  }
0x56: {  	_ =	shalt  }
0x57: {  	_ =	shalt  }
0x58: {  	_ =	shalt  }
0x59: {  	_ =	shalt  }
0x5a: {  	_ =	shalt  }
0x5b: {  	_ =	shalt  }
0x5c: {  	_ =	shalt  }
0x5d: {  	_ =	shalt  }
0x5e: {  	_ =	shalt  }
0x5f: {  	_ =	shalt  }
0x60: {  	_ =	shalt  }
0x61: {  	_ =	shalt  }
0x62: {  	_ =	shalt  }
0x63: {  	_ =	shalt  }
0x64: {  	_ =	shalt  }
0x65: {  	_ =	shalt  }
0x66: {  	_ =	shalt  }
0x67: {  	_ =	shalt  }
0x68: {  	_ =	shalt  }
0x69: {  	_ =	shalt  }
0x6a: {  	_ =	shalt  }
0x6b: {  	_ =	shalt  }
0x6c: {  	_ =	shalt  }
0x6d: {  	_ =	shalt  }
0x6e: {  	_ =	shalt  }
0x6f: {  	_ =	shalt  }
0x70: {  	_ =	shalt  }
0x71: {  	_ =	shalt  }
0x72: {  	_ =	shalt  }
0x73: {  	_ =	shalt  }
0x74: {  	_ =	shalt  }
0x75: {  	_ =	shalt  }
0x76: {  	_ =	shalt  }
0x77: {  	_ =	shalt  }
0x78: {  	_ =	shalt  }
0x79: {  	_ =	shalt  }
0x7a: {  	_ =	shalt  }
0x7b: {  	_ =	shalt  }
0x7c: {  	_ =	shalt  }
0x7d: {  	_ =	shalt  }
0x7e: {  	_ =	shalt  }
0x7f: {  	_ =	shalt  }
0x80: {  	_ =	shalt  }
0x81: {  	_ =	shalt  }
0x82: {  	_ =	shalt  }
0x83: {  	_ =	shalt  }
0x84: {  	_ =	shalt  }
0x85: {  	_ =	shalt  }
0x86: {  	_ =	shalt  }
0x87: {  	_ =	shalt  }
.Lfunc_end0:
.L_simem_size_0:
called_computation_lowered:
.L_overlay_start_0:
0x88: {  	s2 =	sld [smem:$0x3FD9]  }
0x89: {  	s3 =	sld [smem:$0x3FFE];
	_ =	sdelay $0x1  }
0x8a: {  	s1 =	srdreg.scid  }
0x8b: {  	s0 =	sand.u32 $0x1, s1  }
0x8c: {  	s17 =	sshll.u32 s0, $0xA;
	s2 =	sadd.s32 s3, s2  }
0x8d: {  	s2 =	sadd.s32 s2, s17  }
0x8e: {  	[smem:$0x3FC5] =	sst s2  }
0x8f: {  	_ = 	snop  }
0x90: {  	s2 =	sld [smem:$0x3FD0];
	(tm) =	ssettm $0x1  }
0x91: {  	s18 =	sld [smem:$0x3FFB];
	_ =	sdelay $0x3  }
0x92: {  	_ =	strace s18  }
0x93: {  	s3 =	sld [smem:$0x3FFC];
	_ =	sdelay $0x3  }
0x94: {  	_ =	strace s3  }
0x95: {  	s3 =	sld [smem:$0x3FFD];
	_ =	sdelay $0x3  }
0x96: {  	_ =	strace s3  }
0x97: {  	_ =	strace $0x8FFFFFFF  }
0x98: {  	s19 =	sld [smem:$0x3FDB];
	_ =	sdelay $0x1  }
0x99: {  	s4 =	simm.s32 $_scs_section_size  }
0x9a: {  	s5 =	simm.s32 $_size__tile_overlayer_lowered;
	s6 =	simm.s32 $_tile_overlayer_lowered  }
0x9b: {  	s22 =	simm.s32 $0x1BFF;
	s21 =	sshll.u32 s6, $0x1;
	s3 =	sadd.s32 s4, s19  }
0x9c: {  	s7 =	simm.s32 $0x0;
	s20 =	sshll.u32 s5, $0x1;
	s5 =	sadd.s32 s21, s3  }
0x9d: {  	[timem:s7], [sflag:s22] =	dma.local [hbm:s5], s20  }
0x9e: {  	_ =	swait.ge [sflag:s22], s20  }
0x9f: {  	s4 =	ssub.s32 $0x0, s20;
	[sflag:s22] =	ssyncset.done $0x0  }
0xa0: {  	[sflag:s22] =	ssyncadd.s32 s4;
	_ =	sdelay $0x1  }
0xa1: {  	s23 =	simm.s32 $0x1B8B  }
0xa2: {  	_ =	swait.ge [sflag:s23], $0x1  }
0xa3: {  	[sflag:s23] =	ssyncset.done $0x0  }
0xa4: {  	s25 =	simm.s32 $0x1B8E;
	s24 =	sld [smem:$0x3FFE];
	[sflag:s23] =	ssyncadd.s32 $0xFFFFFFFF  }
0xa5: {  	s26 =	simm.s32 $execute0_lowered;
	[smem:$0x3FD2] =	sst s25  }
0xa6: {  	s5 =	sshll.u32 s26, $0x1;
	_ =	strace $0x80000046;
	[dreg:$0x1] =	wrdreg $0xFFFFFFFF  }
0xa7: {  	s28 =	simm.s32 $_size_execute0_lowered;
	s3 =	sadd.s32 s3, s5;
	[dreg:$0x0] =	wrdreg $0x0  }
0xa8: {  	s5 =	sshll.u32 s28, $0x1;
	[dreg:$0x2] =	wrdreg s3  }
0xa9: {  	[dreg:$0x3] =	wrdreg s5  }
0xaa: {  	[dreg:$0x4] =	wrdreg $0xC0  }
0xab: {  	_ =	task [dreg:s7], $0x5FFFF  }
0xac: {  	[dreg:$0x1] =	wrdreg $0xFFFFFFFF  }
0xad: {  	[dreg:$0x0] =	wrdreg $0x60  }
0xae: {  	[dreg:$0x2] =	wrdreg s2  }
0xaf: {  	[dreg:$0x3] =	wrdreg s24  }
0xb0: {  	[dreg:$0x4] =	wrdreg $0xC3580  }
0xb1: {  	[dreg:$0x5] =	wrdreg $0x186B00  }
0xb2: {  	[dreg:$0x6] =	wrdreg $0x0  }
0xb3: {  	[dreg:$0x7] =	wrdreg $0x9  }
0xb4: {  	_ =	task.clear_ibuf [dreg:s7], $0x8FFFF;
	_ =	strace $0x90000046  }
0xb5: {  	s29 =	simm.s32 $0x9;
	_ =	strace $0x80000048  }
0xb6: {  	_ =	swait.ge [sflag:s29], $0x1  }
0xb7: {  	[sflag:s29] =	ssyncadd.s32 $0xFFFFFFFF  }
0xb8: {  	_ =	strace $0x90000048  }
0xb9: {  	_ =	sfence  }
0xba: {  	s30 =	sld [smem:$0x0];
	_ =	sdelay $0x2  }
0xbb: {  	s31 =	sshll.u32 s1, $0xD;
	s1 =	sshrl.u32 s1, $0x2  }
0xbc: {  	s3 =	sand.u32 $0x4000, s31;
	s1 =	sadd.s32 s1, s30  }
0xbd: {  	s0 =	sor.u32 s3, s0;
	s1 =	sshll.u32 s1, $0x11  }
0xbe: {  	s0 =	sor.u32 s1, s0  }
0xbf: {  	s0 =	sadd.s32 $0x8F2B, s0  }
0xc0: {  	[sflag:s0] =	ssyncadd.remote.s32 $0x1  }
0xc1: {  	_ =	sfence.sel $0xFFFF  }
0xc2: {  	[dreg:$0x0] =	wrdreg $0xFFFFFFFF;
	(pc) =	sbr.abs _section_cstart, $3  }
0xc3: {  	[dreg:$0x1] =	wrdreg $0xFFFFFFFF  }
0xc4: {  	_ =	task.clear_ibuf [dreg:s7], $0x2FFFF;
	_ =	strace $0x9FFFFFFF  }
0xc5: {  	(tm) =	ssettm $0x7FFFFFFF  }
tec
execute0_lowered:
.L_overlay_start_1:
0x0: {  	(tag) =	ssettag $0x1  }
0x1: {  	s0 =	rddreg [dreg:$0x1]  }
0x2: {  	s2 =	rddreg [dreg:$0x2]  }
0x3: {  	s3 =	rddreg [dreg:$0x3]  }
0x4: {  	s4 =	rddreg [dreg:$0x4];
	s1 =	srdreg.scid  }
0x5: {  	s5 =	simm.s32 $0x0;
	s10 =	stileid.u32;
	s19 =	simm.s32 $0x4F  }
0x6: {  	s28 =	simm.s32 $0x1E7B8;
	s29 =	simm.s32 $0x3;
	s30 =	simm.s32 $0x1E6E8  }
0x7: {  	s1 =	sand.u32 $0x1, s1;
	[smem:$0x7FF] =	sst s5;
	s9 =	sadd.s32 $0x1400, s0  }
0x8: {  	s12 =	sadd.s32 $0x3EA00, s0;
	p0 =	slt.u32 s10, $0xA;
	s14 =	smul.u32 $0xC40, s10  }
0x9: {  	s15 =	sadd.s32 $0xC3500, s2;
	s16 =	sadd.s32 $0xC3500, s4;
	s17 =	smul.u32 $0x320, s10  }
0xa: {  	s18 =	smul.u32 $0x190, s10;
	_ =	strace $0x80000047;
	[dreg:$0x6] =	wrdreg s9  }
0xb: {  	s21 =	smul.u32 $0x3200, s10;
	s31 =	sadd.s32 $0xC358, s3;
	[dreg:$0x7] =	wrdreg s12  }
0xc: {  	s6 =	smul.u32 $0x186A0, s1;
	s8 =	sshll.u32 s1, $0x2;
	[dreg:$0xa] =	wrdreg s15  }
0xd: {  	s11 =	ssub.s32 $0x2, s1;
	s9 =	sadd.s32 $0x3EC00, s0;
	[dreg:$0xb] =	wrdreg s16  }
0xe: {  	s12 =	sadd.s32 $0xC350, s3;
	[dreg:$0x13] =	wrdreg s31;
	s15 =	simm.s32 $0x1  }
0xf: {  	s16 =	simm.s32 $0x1EB38;
	s8 =	sadd.s32 s8, s0;
	s13 =	sshrl.u32 s11, $0x1  }
0x10: {  	[dreg:$0xc] =	wrdreg s12;
	s22 =	sshrl.u32 s17, $0x2;
	s23 =	sshrl.u32 s21, $0x2  }
0x11: {  	s17 =	simm.s32 $0x1AEE8;
	s21 =	simm.s32 $0x1F010;
	s7 =	sadd.s32 s6, s0  }
0x12: {  	s6 =	sadd.s32 $0x32400, s0;
	s0 =	ssub.s32 s11, s13;
	s11 =	smul.u32 $0xC350, s1  }
0x13: {  	s1 =	simm.s32 $0x10;
	s13 =	smul.u32 $0x38, s10;
	s8 =	sadd.s32 $0x3E800, s8  }
0x14: {  	s25 =	sadd.s32 s23, s4;
	s26 =	sadd.s32 s23, s2;
	[dreg:$0x9] =	wrdreg s8  }
0x15: {  	s1 =	simm.s32 @!p0 $0xF;
	p0 =	slt.u32 s10, $0x2;
	[dreg:$0x11] =	wrdreg s25  }
0x16: {  	s0 =	smax.u32 s0, $0x1;
	[dreg:$0x12] =	wrdreg s26;
	s8 =	simm.s32 $0x1E978  }
0x17: {  	s26 =	simm.s32 $0x1F510;
	[dreg:$0x8] =	wrdreg s1;
	s1 =	sadd.s32 s6, s14  }
0x18: {  	s20 =	sor.u32 $0x1, s13;
	s19 =	simm.s32 @!p0 $0x4E;
	[dreg:$0xe] =	wrdreg s0  }
0x19: {  	s0 =	sadd.s32 s22, s3;
	p0 =	sne.s32 s10, $0x0;
	s14 =	simm.s32 $0x1C0  }
0x1a: {  	s10 =	simm.s32 $0x0;
	[dreg:$0xd] =	wrdreg s1;
	s1 =	sadd.s32 s18, s7  }
0x1b: {  	[dreg:$0xf] =	wrdreg s0;
	s7 =	simm.s32 $0x192E8;
	s24 =	sadd.s32 $0x1600, s1  }
0x1c: {  	v0 =	vimm.bf16 $0.0e+00;
	v1 =	vimm.f32 $0.0e+00;
	v2 =	vimm.bf16 $1.0000e+00;
	s18 =	simm.s32 $0x2;
	s1 =	simm.s32 $0x1CAE8;
	[dreg:$0x10] =	wrdreg s24  }
.LBB2_1:
0x1d: {  	[dreg:$0x14] =	wrdreg s10;
	s0 =	simm.s32 $0x40;
	s12 =	simm.s32 $0x0  }
.LBB2_2:
0x1e: {  	p1 =	sne.s32 s0, $0x6FC0;
	[tilespmem:s12+$0x1CAE8] =	vst v0;
	s12 =	smov.u32 s0;
	s0 =	sadd.s32 $0x40, s0  }
.Ltmp0:
0x1f: {  	(pc) =	sbr.rel @p1 .LBB2_2-.Ltmp0, $2  }
0x20: {  	_ =	sdelay $0x2  }
0x21: {  	s12 =	sshra.s32 s12, $0x2  }
0x22: {  	[tilespmem:s12+$0x1CAE8] =	vst v0  }
0x23: {  	[tilespmem:$0x1E6E8] =	vst v1  }
0x24: {  	[tilespmem:$0x1E6F8] =	vst v1  }
0x25: {  	[tilespmem:$0x1E708] =	vst v1  }
0x26: {  	[tilespmem:$0x1E718] =	vst v1  }
0x27: {  	[tilespmem:$0x1E728] =	vst v1  }
0x28: {  	[tilespmem:$0x1E738] =	vst v1  }
0x29: {  	[tilespmem:$0x1E748] =	vst v1  }
0x2a: {  	[tilespmem:$0x1E758] =	vst v1  }
0x2b: {  	[tilespmem:$0x1E768] =	vst v1  }
0x2c: {  	[tilespmem:$0x1E778] =	vst v1  }
0x2d: {  	[tilespmem:$0x1E788] =	vst v1  }
0x2e: {  	[tilespmem:$0x1E798] =	vst v1  }
0x2f: {  	s0 =	rddreg [dreg:$0x7];
	[tilespmem:$0x1E7A8] =	vst v1  }
0x30: {  	[tilespmem:s28], [sflag:$0x3] =	stream.linear.gather [hbm4b:s0+s5], $0x1C0, $0x38;
	[tilespmem:$0x1FA10] =	vst v63  }
0x31: {  	_ =	swait.ge [sflag:s29], $0x1C0  }
0x32: {  	[sflag:s29] =	ssyncset.done $0x0  }
0x33: {  	s10 =	simm.s32 $0x1ECF8;
	s22 =	rddreg [dreg:$0x9];
	[sflag:s29] =	ssyncadd.s32 $0xFFFFFE40  }
0x34: {  	[tilespmem:s10], [sflag:$0x3] =	stream.linear.gather [hbm4b:s22+s5], $0x20, $0x38;
	[tilespmem:$0x1FA10] =	vst v63  }
0x35: {  	_ =	swait.ge [sflag:s29], $0x20  }
0x36: {  	[sflag:s29] =	ssyncset.done $0x0  }
0x37: {  	s24 =	simm.s32 $0x1ED38;
	s23 =	rddreg [dreg:$0x6];
	[sflag:s29] =	ssyncadd.s32 $0xFFFFFFE0  }
0x38: {  	[tilespmem:s24], [sflag:$0x3] =	stream.linear.gather [hbm4b:s23+s5], $0x20, $0x38;
	[tilespmem:$0x1FA10] =	vst v63  }
0x39: {  	_ =	swait.ge [sflag:s29], $0x20  }
0x3a: {  	[sflag:s29] =	ssyncset.done $0x0  }
0x3b: {  	s22 =	rddreg [dreg:$0x12];
	[sflag:s29] =	ssyncadd.s32 $0xFFFFFFE0  }
0x3c: {  	[spmem:s22] =	stream.linear.scatter [tilespmem:s1], [sflag:$0x3], $0xC80, $0x38;
	[tilespmem:$0x1FA10] =	vst v63  }
0x3d: {  	_ =	swait.ge [sflag:s29], $0xC80  }
0x3e: {  	[sflag:s29] =	ssyncset.done $0x0  }
0x3f: {  	s23 =	rddreg [dreg:$0xf];
	[sflag:s29] =	ssyncadd.s32 $0xFFFFF380  }
0x40: {  	[spmem:s23] =	stream.linear.scatter [tilespmem:s30], [sflag:$0x3], $0xC8, $0x38;
	[tilespmem:$0x1FA10] =	vst v63  }
0x41: {  	_ =	swait.ge [sflag:s29], $0xC8  }
0x42: {  	[sflag:s29] =	ssyncset.done $0x0  }
0x43: {  	s24 =	rddreg [dreg:$0x10];
	[sflag:s29] =	ssyncadd.s32 $0xFFFFFF38  }
0x44: {  	[tilespmem:s7], [sflag:$0x3] =	stream.linear.gather [hbm4b:s24+s5], $0xC80, $0x38;
	[tilespmem:$0x1FA10] =	vst v63  }
0x45: {  	_ =	swait.ge [sflag:s29], $0xC80  }
0x46: {  	s31 =	rddreg [dreg:$0x8]  }
0x47: {  	p1 =	sne.s32 s31, $0x1  }
.Ltmp1:
0x48: {  	[sflag:s29] =	ssyncset.done $0x0;
	(pc) =	sbr.rel @!p1 .LBB2_5-.Ltmp1, $4  }
0x49: {  	s25 =	rddreg [dreg:$0x11];
	[sflag:s29] =	ssyncadd.s32 $0xFFFFF380  }
0x4a: {  	[spmem:s25] =	stream.linear.scatter [tilespmem:s7], [sflag:$0x3], $0xC80, $0x38;
	[tilespmem:$0x1FA10] =	vst v63  }
0x4b: {  	s22 =	sadd.s32 $0xC800, s22;
	_ =	swait.ge [sflag:s29], $0xC80  }
0x4c: {  	s0 =	sadd.s32 $0xFFFFFFFF, s31;
	s12 =	sadd.s32 $0xC800, s25;
	[sflag:s29] =	ssyncset.done $0x0  }
.LBB2_4:
0x4d: {  	[sflag:s29] =	ssyncadd.s32 $0xFFFFF380;
	s23 =	sadd.s32 $0xC80, s23;
	s24 =	sadd.s32 $0x1900, s24  }
0x4e: {  	[spmem:s22] =	stream.linear.scatter [tilespmem:s1], [sflag:$0x3], $0xC80, $0x38;
	[tilespmem:$0x1FA10] =	vst v63  }
0x4f: {  	p1 =	sne.s32 s0, $0x1;
	s0 =	sadd.s32 $0xFFFFFFFF, s0;
	_ =	swait.ge [sflag:s29], $0xC80  }
0x50: {  	[sflag:s29] =	ssyncset.done $0x0  }
0x51: {  	[sflag:s29] =	ssyncadd.s32 $0xFFFFF380  }
0x52: {  	[spmem:s23] =	stream.linear.scatter [tilespmem:s30], [sflag:$0x3], $0xC8, $0x38;
	[tilespmem:$0x1FA10] =	vst v63  }
0x53: {  	_ =	swait.ge [sflag:s29], $0xC8  }
0x54: {  	[sflag:s29] =	ssyncset.done $0x0  }
0x55: {  	[sflag:s29] =	ssyncadd.s32 $0xFFFFFF38  }
0x56: {  	[tilespmem:s7], [sflag:$0x3] =	stream.linear.gather [hbm4b:s24+s5], $0xC80, $0x38;
	[tilespmem:$0x1FA10] =	vst v63  }
0x57: {  	_ =	swait.ge [sflag:s29], $0xC80  }
.Ltmp2:
0x58: {  	[sflag:s29] =	ssyncset.done $0x0;
	(pc) =	sbr.rel @p1 .LBB2_4-.Ltmp2, $4  }
0x59: {  	[sflag:s29] =	ssyncadd.s32 $0xFFFFF380  }
0x5a: {  	[spmem:s12] =	stream.linear.scatter [tilespmem:s7], [sflag:$0x3], $0xC80, $0x38;
	[tilespmem:$0x1FA10] =	vst v63  }
0x5b: {  	_ =	swait.ge [sflag:s29], $0xC80  }
0x5c: {  	s22 =	sadd.s32 $0xC800, s22;
	s12 =	sadd.s32 $0xC800, s12;
	[sflag:s29] =	ssyncset.done $0x0  }
.LBB2_5:
0x5d: {  	[sflag:s29] =	ssyncadd.s32 $0xFFFFF380  }
0x5e: {  	s0 =	simm.s32 @!p0 $0x1CAE8;
	s10 =	rddreg [dreg:$0xa];
	s12 =	simm.s32 @!p0 $0x3  }
0x5f: {  	[spmem:s10] =	stream.linear.scatter @!p0 [tilespmem:s0], [sflag:$0x3], $0x80, $0x38;
	[tilespmem:$0x1FA10] =	vst v63  }
0x60: {  	_ =	swait.ge @!p0 [sflag:s12], $0x80  }
0x61: {  	[sflag:s12] =	ssyncset.done @!p0 $0x0  }
0x62: {  	s10 =	rddreg [dreg:$0xb];
	[sflag:s12] =	ssyncadd.s32 @!p0 $0xFFFFFF80  }
0x63: {  	[spmem:s10] =	stream.linear.scatter @!p0 [tilespmem:s0], [sflag:$0x3], $0x80, $0x38;
	[tilespmem:$0x1FA10] =	vst v63  }
0x64: {  	_ =	swait.ge @!p0 [sflag:s12], $0x80  }
0x65: {  	[sflag:s12] =	ssyncset.done @!p0 $0x0  }
0x66: {  	s0 =	simm.s32 @!p0 $0x1E6E8;
	s10 =	rddreg [dreg:$0xc];
	[sflag:s12] =	ssyncadd.s32 @!p0 $0xFFFFFF80  }
0x67: {  	[spmem:s10] =	stream.linear.scatter @!p0 [tilespmem:s0], [sflag:$0x3], $0x28, $0x38;
	[tilespmem:$0x1FA10] =	vst v63  }
0x68: {  	_ =	swait.ge @!p0 [sflag:s12], $0x28  }
0x69: {  	[sflag:s12] =	ssyncset.done @!p0 $0x0  }
0x6a: {  	[sflag:s12] =	ssyncadd.s32 @!p0 $0xFFFFFFD8  }
0x6b: {  	[bflag:$0x0] =	sbarrier.arrive $0xFFFF  }
0x6c: {  	s24 =	simm.s32 $0x0;
	s31 =	rddreg [dreg:$0xd]  }
0x6d: {  	[tilespmem:s8], [sflag:$0x3] =	stream.linear.gather [hbm4b:s31+s24], $0x1C0, $0x38;
	[tilespmem:$0x1FA10] =	vst v63  }
0x6e: {  	_ =	swait.ge [sflag:s29], $0x1C0  }
0x6f: {  	[sflag:s29] =	ssyncset.done $0x0  }
0x70: {  	[sflag:s29] =	ssyncadd.s32 $0xFFFFFE40  }
0x71: {  	v3 =	vimm.f32 $0.0e+00;
	v4 =	vimm.f32 $0.0e+00;
	[tilespmem:s7], [sflag:$0x1] =	stream.indirect.gather [spmem:s4], $0x10, s8, s14, $0xb8;
	[tilespmem:$0x1FA10] =	vst v63  }
.LBB2_6:
0x72: {  	s25 =	sshll.u32 s24, $0x1  }
0x73: {  	s0 =	sadd.s32 s13, s25  }
0x74: {  	s0 =	smul.u32 $0x1C0, s0;
	_ =	sdelay $0x1  }
0x75: {  	_ =	swait.ge [sflag:s15], $0x1C00;
	s0 =	sshrl.u32 s0, $0x3  }
0x76: {  	[sflag:s15] =	ssyncset.done $0x0;
	s0 =	sadd.s32 s6, s0  }
0x77: {  	[sflag:s15] =	ssyncadd.s32 $0xFFFFE400;
	s0 =	sadd.s32 $0x38, s0  }
0x78: {  	[tilespmem:s16], [sflag:$0x3] =	stream.linear.gather [hbm4b:s0+s5], $0x1C0, $0x38;
	[tilespmem:$0x1FA10] =	vst v63  }
0x79: {  	_ =	swait.ge [sflag:s29], $0x1C0  }
0x7a: {  	[sflag:s29] =	ssyncset.done $0x0  }
0x7b: {  	s12 =	simm.s32 $0x1A0E8;
	[sflag:s29] =	ssyncadd.s32 $0xFFFFFE40  }
0x7c: {  	[tilespmem:s17], [sflag:$0x2] =	stream.indirect.gather [spmem:s4], $0x10, s16, s14, $0xb8;
	[tilespmem:$0x1FA10] =	vst v63  }
0x7d: {  	v5 =	vld [tilespmem:s12+$0xFFFFF200]  }
0x7e: {  	v6 =	vld [tilespmem:s12+$0xFFFFF900];
	_ =	sdelay $0x1  }
0x7f: {  	v7 =	vld [tilespmem:s12+$0x0];
	_ =	sdelay $0x1  }
0x80: {  	v8 =	vld [tilespmem:s12+$0x700]  }
0x81: {  	v5 =	vadd.bf16 v6, v5;
	_ =	sdelay $0x1  }
0x82: {  	v5 =	vadd.bf16 v7, v5;
	_ =	sdelay $0x1  }
0x83: {  	v5 =	vadd.bf16 v8, v5;
	_ =	sdelay $0x1  }
0x84: {  	vm0 =	vlt.bf16 v5, $1.0000e+00  }
0x85: {  	s22 =	simm.s32 $0x1D8E8;
	v6 =	vsel vm0, v2, v0  }
0x86: {  	[tilespmem:s22+$0x700] =	vst v6  }
0x87: {  	[tilespmem:s22+$0x0] =	vst v6  }
0x88: {  	[tilespmem:s22+$0xFFFFF200] =	vst v6  }
0x89: {  	[tilespmem:s22+$0xFFFFF900] =	vst v6  }
0x8a: {  	v6 =	vld [tilespmem:s12+$0xFFFFF210]  }
0x8b: {  	v7 =	vld [tilespmem:s12+$0xFFFFF910];
	_ =	sdelay $0x1  }
0x8c: {  	v8 =	vld [tilespmem:s12+$0x10];
	_ =	sdelay $0x1  }
0x8d: {  	v9 =	vld [tilespmem:s12+$0x710]  }
0x8e: {  	v6 =	vadd.bf16 v7, v6;
	_ =	sdelay $0x1  }
0x8f: {  	v6 =	vadd.bf16 v8, v6;
	_ =	sdelay $0x1  }
0x90: {  	v6 =	vadd.bf16 v9, v6;
	_ =	sdelay $0x1  }
0x91: {  	vm14 =	vlt.bf16 v6, $1.0000e+00  }
0x92: {  	v7 =	vsel vm14, v2, v0  }
0x93: {  	[tilespmem:s22+$0xFFFFF210] =	vst v7  }
0x94: {  	[tilespmem:s22+$0xFFFFF910] =	vst v7  }
0x95: {  	[tilespmem:s22+$0x10] =	vst v7  }
0x96: {  	[tilespmem:s22+$0x710] =	vst v7  }
0x97: {  	v7 =	vld [tilespmem:s12+$0xFFFFF220]  }
0x98: {  	v8 =	vld [tilespmem:s12+$0xFFFFF920];
	_ =	sdelay $0x1  }
0x99: {  	v9 =	vld [tilespmem:s12+$0x20];
	_ =	sdelay $0x1  }
0x9a: {  	v10 =	vld [tilespmem:s12+$0x720]  }
0x9b: {  	v7 =	vadd.bf16 v8, v7;
	_ =	sdelay $0x1  }
0x9c: {  	v7 =	vadd.bf16 v9, v7;
	_ =	sdelay $0x1  }
0x9d: {  	v8 =	vadd.bf16 v10, v7;
	_ =	sdelay $0x1  }
0x9e: {  	vm15 =	vlt.bf16 v8, $1.0000e+00  }
0x9f: {  	v7 =	vsel vm15, v2, v0  }
0xa0: {  	[tilespmem:s22+$0x720] =	vst v7  }
0xa1: {  	[tilespmem:s22+$0x20] =	vst v7  }
0xa2: {  	v9 =	vmin.bf16 v5, v2;
	[tilespmem:s22+$0xFFFFF220] =	vst v7  }
0xa3: {  	v5 =	vunpack.i.u.bf16.f32 v9;
	v10 =	vmin.bf16 v6, v2;
	[tilespmem:s22+$0xFFFFF920] =	vst v7  }
0xa4: {  	v6 =	vunpack.i.l.bf16.f32 v9;
	v12 =	vmin.bf16 v8, v2;
	v8 =	vunpack.i.l.bf16.f32 v10;
	v11 =	vld [tilespmem:s12+$0xFFFFF230]  }
0xa5: {  	s31 =	simm.s32 $0x0;
	s23 =	simm.s32 $0x1D8E8;
	s0 =	simm.s32 $0x1A0E8;
	v9 =	vunpack.i.u.bf16.f32 v12;
	v7 =	vunpack.i.u.bf16.f32 v10;
	v10 =	vunpack.i.l.bf16.f32 v12;
	v12 =	vld [tilespmem:s12+$0xFFFFF930]  }
.LBB2_7:
0xa6: {  	s31 =	sadd.s32 $0x4, s31;
	v13 =	vld [tilespmem:s12+$0x30];
	s22 =	sadd.s32 $0x40, s22;
	s0 =	sadd.s32 $0x40, s0  }
0xa7: {  	p1 =	slt.u32 s31, $0x6C;
	v14 =	vld [tilespmem:s12+$0x730];
	s12 =	smov.u32 s0;
	_ =	sdelay $0x2  }
0xa8: {  	v11 =	vadd.bf16 v12, v11  }
0xa9: {  	v3 =	vadd.f32 v5, v3  }
0xaa: {  	v4 =	vadd.f32 v6, v4;
	v5 =	vadd.bf16 v13, v11  }
0xab: {  	v3 =	vadd.f32 v7, v3  }
0xac: {  	v4 =	vadd.f32 v8, v4;
	v5 =	vadd.bf16 v14, v5  }
0xad: {  	v3 =	vadd.f32 v9, v3  }
0xae: {  	v4 =	vadd.f32 v10, v4;
	v6 =	vmin.bf16 v5, v2;
	vm0 =	vlt.bf16 v5, $1.0000e+00  }
0xaf: {  	v5 =	vunpack.i.u.bf16.f32 v6;
	v6 =	vunpack.i.l.bf16.f32 v6;
	v7 =	vsel vm0, v2, v0  }
0xb0: {  	[tilespmem:s23+$0xFFFFF230] =	vst v7;
	v4 =	vadd.f32 v6, v4;
	v3 =	vadd.f32 v5, v3  }
0xb1: {  	[tilespmem:s23+$0x730] =	vst v7  }
0xb2: {  	[tilespmem:s23+$0x30] =	vst v7  }
0xb3: {  	[tilespmem:s23+$0xFFFFF930] =	vst v7;
	s23 =	smov.u32 s22  }
0xb4: {  	v5 =	vld [tilespmem:s0+$0xFFFFF200]  }
0xb5: {  	v6 =	vld [tilespmem:s0+$0xFFFFF900];
	_ =	sdelay $0x1  }
0xb6: {  	v7 =	vld [tilespmem:s0+$0x0];
	_ =	sdelay $0x1  }
0xb7: {  	v8 =	vld [tilespmem:s0+$0x700]  }
0xb8: {  	v5 =	vadd.bf16 v6, v5;
	_ =	sdelay $0x1  }
0xb9: {  	v5 =	vadd.bf16 v7, v5;
	_ =	sdelay $0x1  }
0xba: {  	v5 =	vadd.bf16 v8, v5;
	_ =	sdelay $0x1  }
0xbb: {  	v6 =	vmin.bf16 v5, v2;
	vm0 =	vlt.bf16 v5, $1.0000e+00  }
0xbc: {  	v5 =	vunpack.i.u.bf16.f32 v6;
	v6 =	vunpack.i.l.bf16.f32 v6;
	v7 =	vsel vm0, v2, v0  }
0xbd: {  	[tilespmem:s22+$0x700] =	vst v7  }
0xbe: {  	[tilespmem:s22+$0x0] =	vst v7  }
0xbf: {  	[tilespmem:s22+$0xFFFFF200] =	vst v7  }
0xc0: {  	[tilespmem:s22+$0xFFFFF900] =	vst v7  }
0xc1: {  	v7 =	vld [tilespmem:s0+$0xFFFFF210]  }
0xc2: {  	v8 =	vld [tilespmem:s0+$0xFFFFF910];
	_ =	sdelay $0x1  }
0xc3: {  	v9 =	vld [tilespmem:s0+$0x10];
	_ =	sdelay $0x1  }
0xc4: {  	v10 =	vld [tilespmem:s0+$0x710]  }
0xc5: {  	v7 =	vadd.bf16 v8, v7;
	_ =	sdelay $0x1  }
0xc6: {  	v7 =	vadd.bf16 v9, v7;
	_ =	sdelay $0x1  }
0xc7: {  	v7 =	vadd.bf16 v10, v7;
	_ =	sdelay $0x1  }
0xc8: {  	v8 =	vmin.bf16 v7, v2;
	vm0 =	vlt.bf16 v7, $1.0000e+00  }
0xc9: {  	v7 =	vunpack.i.u.bf16.f32 v8;
	v8 =	vunpack.i.l.bf16.f32 v8;
	v9 =	vsel vm0, v2, v0  }
0xca: {  	[tilespmem:s22+$0xFFFFF210] =	vst v9  }
0xcb: {  	[tilespmem:s22+$0xFFFFF910] =	vst v9  }
0xcc: {  	[tilespmem:s22+$0x10] =	vst v9  }
0xcd: {  	[tilespmem:s22+$0x710] =	vst v9  }
0xce: {  	v9 =	vld [tilespmem:s0+$0xFFFFF220]  }
0xcf: {  	v10 =	vld [tilespmem:s0+$0xFFFFF920];
	_ =	sdelay $0x1  }
0xd0: {  	v11 =	vld [tilespmem:s0+$0x20];
	_ =	sdelay $0x1  }
0xd1: {  	v12 =	vld [tilespmem:s0+$0x720]  }
0xd2: {  	v9 =	vadd.bf16 v10, v9;
	_ =	sdelay $0x1  }
0xd3: {  	v9 =	vadd.bf16 v11, v9;
	_ =	sdelay $0x1  }
0xd4: {  	v9 =	vadd.bf16 v12, v9;
	_ =	sdelay $0x1  }
0xd5: {  	v10 =	vmin.bf16 v9, v2;
	vm0 =	vlt.bf16 v9, $1.0000e+00  }
0xd6: {  	v9 =	vunpack.i.u.bf16.f32 v10;
	v10 =	vunpack.i.l.bf16.f32 v10;
	v11 =	vsel vm0, v2, v0  }
0xd7: {  	[tilespmem:s22+$0x720] =	vst v11  }
.Ltmp3:
0xd8: {  	[tilespmem:s22+$0x20] =	vst v11;
	(pc) =	sbr.rel @p1 .LBB2_7-.Ltmp3, $4  }
0xd9: {  	[tilespmem:s22+$0xFFFFF220] =	vst v11  }
0xda: {  	[tilespmem:s22+$0xFFFFF920] =	vst v11  }
0xdb: {  	v11 =	vld [tilespmem:s0+$0xFFFFF230]  }
0xdc: {  	v12 =	vld [tilespmem:s0+$0xFFFFF930]  }
0xdd: {  	_ = 	snop  }
0xde: {  	v13 =	vld [tilespmem:s12+$0x30];
	_ =	sdelay $0x1  }
0xdf: {  	v14 =	vld [tilespmem:s12+$0x730]  }
0xe0: {  	v11 =	vadd.bf16 v12, v11;
	_ =	sdelay $0x1  }
0xe1: {  	v11 =	vadd.bf16 v13, v11;
	_ =	sdelay $0x1  }
0xe2: {  	v11 =	vadd.bf16 v14, v11;
	_ =	sdelay $0x1  }
0xe3: {  	vm0 =	vlt.bf16 v11, $1.0000e+00  }
0xe4: {  	v12 =	vsel vm0, v2, v0  }
0xe5: {  	[tilespmem:s23+$0xFFFFF230] =	vst v12  }
0xe6: {  	[tilespmem:s23+$0x730] =	vst v12  }
0xe7: {  	[tilespmem:s23+$0x30] =	vst v12  }
0xe8: {  	[tilespmem:s23+$0xFFFFF930] =	vst v12  }
0xe9: {  	[spmem:s2] =	stream.indirect.scatter.add.bf16 [tilespmem:s1], [sflag:$0x3], $0x10, s8, s14, $0xb8;
	[tilespmem:$0x1FA10] =	vst v63  }
0xea: {  	_ =	swait.ge [sflag:s29], $0x1C00  }
0xeb: {  	[sflag:s29] =	ssyncset.done $0x0  }
0xec: {  	p1 =	seq.s32 s24, $0x1B;
	[sflag:s29] =	ssyncadd.s32 $0xFFFFE400  }
0xed: {  	[spmem:s3] =	stream.indirect.scatter.add.f32 [tilespmem:s28], [sflag:$0x3], $0x1, s8, s14, $0xb8;
	[tilespmem:$0x1FA10] =	vst v63  }
0xee: {  	s0 =	sadd.s32 @!p1 s25, s20;
	_ =	swait.ge [sflag:s29], $0x1C0  }
0xef: {  	s0 =	smul.u32 @!p1 $0x1C0, s0;
	[sflag:s29] =	ssyncset.done $0x0  }
0xf0: {  	[sflag:s29] =	ssyncadd.s32 $0xFFFFFE40  }
0xf1: {  	s0 =	sshrl.u32 @!p1 s0, $0x3;
	_ =	swait.ge [sflag:s18], $0x1C00  }
0xf2: {  	s12 =	simm.s32 @!p1 $0x0;
	s0 =	sadd.s32 @!p1 s6, s0;
	[sflag:s18] =	ssyncset.done $0x0  }
0xf3: {  	s22 =	simm.s32 @!p1 $0x1E978;
	s0 =	sadd.s32 @!p1 $0x38, s0;
	[sflag:s18] =	ssyncadd.s32 $0xFFFFE400  }
0xf4: {  	[tilespmem:s22], [sflag:$0x3] =	stream.linear.gather @!p1 [hbm4b:s0+s12], $0x1C0, $0x38;
	[tilespmem:$0x1FA10] =	vst v63  }
0xf5: {  	s0 =	simm.s32 @!p1 $0x3  }
0xf6: {  	_ =	swait.ge @!p1 [sflag:s0], $0x1C0  }
0xf7: {  	s25 =	simm.s32 $0x1BCE8;
	[sflag:s0] =	ssyncset.done @!p1 $0x0  }
0xf8: {  	s12 =	simm.s32 @!p1 $0x192E8;
	[sflag:s0] =	ssyncadd.s32 @!p1 $0xFFFFFE40;
	s0 =	simm.s32 @!p1 $0x1C0  }
0xf9: {  	[tilespmem:s12], [sflag:$0x1] =	stream.indirect.gather @!p1 [spmem:s4], $0x10, s22, s0, $0xb8;
	[tilespmem:$0x1FA10] =	vst v63  }
0xfa: {  	v12 =	vld [tilespmem:s25+$0xFFFFF200]  }
0xfb: {  	v13 =	vld [tilespmem:s25+$0xFFFFF900];
	_ =	sdelay $0x1  }
0xfc: {  	v14 =	vld [tilespmem:s25+$0x0];
	_ =	sdelay $0x1  }
0xfd: {  	v15 =	vld [tilespmem:s25+$0x700]  }
0xfe: {  	v12 =	vadd.bf16 v13, v12;
	_ =	sdelay $0x1  }
0xff: {  	v12 =	vadd.bf16 v14, v12;
	_ =	sdelay $0x1  }
0x100: {  	v12 =	vadd.bf16 v15, v12;
	_ =	sdelay $0x1  }
0x101: {  	vm13 =	vlt.bf16 v12, $1.0000e+00  }
0x102: {  	s12 =	simm.s32 $0x1D8E8;
	v13 =	vsel vm13, v2, v0  }
0x103: {  	[tilespmem:s12+$0x700] =	vst v13  }
0x104: {  	[tilespmem:s12+$0x0] =	vst v13  }
0x105: {  	[tilespmem:s12+$0xFFFFF200] =	vst v13  }
0x106: {  	[tilespmem:s12+$0xFFFFF900] =	vst v13  }
0x107: {  	v13 =	vld [tilespmem:s25+$0xFFFFF210]  }
0x108: {  	v14 =	vld [tilespmem:s25+$0xFFFFF910];
	_ =	sdelay $0x1  }
0x109: {  	v15 =	vld [tilespmem:s25+$0x10];
	_ =	sdelay $0x1  }
0x10a: {  	v16 =	vld [tilespmem:s25+$0x710]  }
0x10b: {  	v13 =	vadd.bf16 v14, v13;
	_ =	sdelay $0x1  }
0x10c: {  	v13 =	vadd.bf16 v15, v13;
	_ =	sdelay $0x1  }
0x10d: {  	v13 =	vadd.bf16 v16, v13;
	_ =	sdelay $0x1  }
0x10e: {  	vm14 =	vlt.bf16 v13, $1.0000e+00  }
0x10f: {  	v14 =	vsel vm14, v2, v0  }
0x110: {  	[tilespmem:s12+$0xFFFFF210] =	vst v14  }
0x111: {  	[tilespmem:s12+$0xFFFFF910] =	vst v14  }
0x112: {  	[tilespmem:s12+$0x10] =	vst v14  }
0x113: {  	[tilespmem:s12+$0x710] =	vst v14  }
0x114: {  	v14 =	vld [tilespmem:s25+$0xFFFFF220]  }
0x115: {  	v15 =	vld [tilespmem:s25+$0xFFFFF920];
	_ =	sdelay $0x1  }
0x116: {  	v63 =	vld [tilespmem:s25+$0x20];
	_ =	sdelay $0x1  }
0x117: {  	v17 =	vld [tilespmem:s25+$0x720]  }
0x118: {  	v14 =	vadd.bf16 v15, v14;
	_ =	sdelay $0x1  }
0x119: {  	v14 =	vadd.bf16 v63, v14  }
0x11a: {  	v4 =	vadd.f32 v6, v4  }
0x11b: {  	v3 =	vadd.f32 v5, v3;
	v14 =	vadd.bf16 v17, v14;
	_ =	sdelay $0x1  }
0x11c: {  	v4 =	vadd.f32 v8, v4;
	v3 =	vadd.f32 v7, v3;
	vm15 =	vlt.bf16 v14, $1.0000e+00  }
0x11d: {  	v6 =	vsel vm15, v2, v0  }
0x11e: {  	v4 =	vadd.f32 v10, v4;
	v7 =	vadd.f32 v9, v3;
	v5 =	vmin.bf16 v11, v2;
	[tilespmem:s12+$0x720] =	vst v6  }
0x11f: {  	v3 =	vunpack.i.l.bf16.f32 v5;
	v5 =	vunpack.i.u.bf16.f32 v5;
	[tilespmem:s12+$0x20] =	vst v6  }
0x120: {  	v3 =	vadd.f32 v3, v4;
	v4 =	vadd.f32 v5, v7;
	[tilespmem:s12+$0xFFFFF220] =	vst v6  }
0x121: {  	v8 =	vmin.bf16 v12, v2;
	v9 =	vmin.bf16 v13, v2;
	v12 =	vmin.bf16 v14, v2;
	[tilespmem:s12+$0xFFFFF920] =	vst v6  }
0x122: {  	v5 =	vunpack.i.u.bf16.f32 v8;
	v7 =	vunpack.i.u.bf16.f32 v9;
	v10 =	vunpack.i.u.bf16.f32 v12;
	v11 =	vld [tilespmem:s25+$0xFFFFF230]  }
0x123: {  	s23 =	simm.s32 $0x0;
	s0 =	simm.s32 $0x1BCE8;
	s22 =	simm.s32 $0x1D8E8;
	v6 =	vunpack.i.l.bf16.f32 v8;
	v8 =	vunpack.i.l.bf16.f32 v9;
	v9 =	vunpack.i.l.bf16.f32 v12;
	v12 =	vld [tilespmem:s25+$0xFFFFF930]  }
.LBB2_9:
0x124: {  	s23 =	sadd.s32 $0x4, s23;
	v13 =	vld [tilespmem:s25+$0x30];
	s12 =	sadd.s32 $0x40, s12;
	s0 =	sadd.s32 $0x40, s0  }
0x125: {  	p1 =	slt.u32 s23, $0x6C;
	v14 =	vld [tilespmem:s25+$0x730];
	s25 =	smov.u32 s0;
	_ =	sdelay $0x2  }
0x126: {  	v11 =	vadd.bf16 v12, v11  }
0x127: {  	v4 =	vadd.f32 v5, v4  }
0x128: {  	v3 =	vadd.f32 v6, v3;
	v5 =	vadd.bf16 v13, v11  }
0x129: {  	v4 =	vadd.f32 v7, v4  }
0x12a: {  	v3 =	vadd.f32 v8, v3;
	v5 =	vadd.bf16 v14, v5  }
0x12b: {  	v4 =	vadd.f32 v10, v4  }
0x12c: {  	v3 =	vadd.f32 v9, v3;
	v6 =	vmin.bf16 v5, v2;
	vm0 =	vlt.bf16 v5, $1.0000e+00  }
0x12d: {  	v5 =	vunpack.i.u.bf16.f32 v6;
	v6 =	vunpack.i.l.bf16.f32 v6;
	v7 =	vsel vm0, v2, v0  }
0x12e: {  	[tilespmem:s22+$0xFFFFF230] =	vst v7;
	v3 =	vadd.f32 v6, v3;
	v4 =	vadd.f32 v5, v4  }
0x12f: {  	[tilespmem:s22+$0x730] =	vst v7  }
0x130: {  	[tilespmem:s22+$0x30] =	vst v7  }
0x131: {  	[tilespmem:s22+$0xFFFFF930] =	vst v7;
	s22 =	smov.u32 s12  }
0x132: {  	v5 =	vld [tilespmem:s0+$0xFFFFF200]  }
0x133: {  	v6 =	vld [tilespmem:s0+$0xFFFFF900];
	_ =	sdelay $0x1  }
0x134: {  	v7 =	vld [tilespmem:s0+$0x0];
	_ =	sdelay $0x1  }
0x135: {  	v8 =	vld [tilespmem:s0+$0x700]  }
0x136: {  	v5 =	vadd.bf16 v6, v5;
	_ =	sdelay $0x1  }
0x137: {  	v5 =	vadd.bf16 v7, v5;
	_ =	sdelay $0x1  }
0x138: {  	v5 =	vadd.bf16 v8, v5;
	_ =	sdelay $0x1  }
0x139: {  	v6 =	vmin.bf16 v5, v2;
	vm0 =	vlt.bf16 v5, $1.0000e+00  }
0x13a: {  	v5 =	vunpack.i.u.bf16.f32 v6;
	v6 =	vunpack.i.l.bf16.f32 v6;
	v7 =	vsel vm0, v2, v0  }
0x13b: {  	[tilespmem:s12+$0x700] =	vst v7  }
0x13c: {  	[tilespmem:s12+$0x0] =	vst v7  }
0x13d: {  	[tilespmem:s12+$0xFFFFF200] =	vst v7  }
0x13e: {  	[tilespmem:s12+$0xFFFFF900] =	vst v7  }
0x13f: {  	v7 =	vld [tilespmem:s0+$0xFFFFF210]  }
0x140: {  	v8 =	vld [tilespmem:s0+$0xFFFFF910];
	_ =	sdelay $0x1  }
0x141: {  	v9 =	vld [tilespmem:s0+$0x10];
	_ =	sdelay $0x1  }
0x142: {  	v10 =	vld [tilespmem:s0+$0x710]  }
0x143: {  	v7 =	vadd.bf16 v8, v7;
	_ =	sdelay $0x1  }
0x144: {  	v7 =	vadd.bf16 v9, v7;
	_ =	sdelay $0x1  }
0x145: {  	v7 =	vadd.bf16 v10, v7;
	_ =	sdelay $0x1  }
0x146: {  	v8 =	vmin.bf16 v7, v2;
	vm0 =	vlt.bf16 v7, $1.0000e+00  }
0x147: {  	v7 =	vunpack.i.u.bf16.f32 v8;
	v8 =	vunpack.i.l.bf16.f32 v8;
	v9 =	vsel vm0, v2, v0  }
0x148: {  	[tilespmem:s12+$0xFFFFF210] =	vst v9  }
0x149: {  	[tilespmem:s12+$0xFFFFF910] =	vst v9  }
0x14a: {  	[tilespmem:s12+$0x10] =	vst v9  }
0x14b: {  	[tilespmem:s12+$0x710] =	vst v9  }
0x14c: {  	v9 =	vld [tilespmem:s0+$0xFFFFF220]  }
0x14d: {  	v10 =	vld [tilespmem:s0+$0xFFFFF920];
	_ =	sdelay $0x1  }
0x14e: {  	v11 =	vld [tilespmem:s0+$0x20];
	_ =	sdelay $0x1  }
0x14f: {  	v12 =	vld [tilespmem:s0+$0x720]  }
0x150: {  	v9 =	vadd.bf16 v10, v9;
	_ =	sdelay $0x1  }
0x151: {  	v9 =	vadd.bf16 v11, v9;
	_ =	sdelay $0x1  }
0x152: {  	v9 =	vadd.bf16 v12, v9;
	_ =	sdelay $0x1  }
0x153: {  	v11 =	vmin.bf16 v9, v2;
	vm0 =	vlt.bf16 v9, $1.0000e+00  }
0x154: {  	v10 =	vunpack.i.u.bf16.f32 v11;
	v9 =	vunpack.i.l.bf16.f32 v11;
	v11 =	vsel vm0, v2, v0  }
0x155: {  	[tilespmem:s12+$0x720] =	vst v11  }
.Ltmp4:
0x156: {  	[tilespmem:s12+$0x20] =	vst v11;
	(pc) =	sbr.rel @p1 .LBB2_9-.Ltmp4, $4  }
0x157: {  	[tilespmem:s12+$0xFFFFF220] =	vst v11  }
0x158: {  	[tilespmem:s12+$0xFFFFF920] =	vst v11  }
0x159: {  	v11 =	vld [tilespmem:s0+$0xFFFFF230]  }
0x15a: {  	v12 =	vld [tilespmem:s0+$0xFFFFF930]  }
0x15b: {  	_ = 	snop  }
0x15c: {  	v13 =	vld [tilespmem:s25+$0x30];
	_ =	sdelay $0x1  }
0x15d: {  	v14 =	vld [tilespmem:s25+$0x730]  }
0x15e: {  	v11 =	vadd.bf16 v12, v11;
	_ =	sdelay $0x1  }
0x15f: {  	v11 =	vadd.bf16 v13, v11;
	_ =	sdelay $0x1  }
0x160: {  	v11 =	vadd.bf16 v14, v11;
	_ =	sdelay $0x1  }
0x161: {  	vm0 =	vlt.bf16 v11, $1.0000e+00  }
0x162: {  	v63 =	vsel vm0, v2, v0  }
0x163: {  	[tilespmem:s22+$0xFFFFF230] =	vst v63  }
0x164: {  	[tilespmem:s22+$0x730] =	vst v63  }
0x165: {  	[tilespmem:s22+$0x30] =	vst v63  }
0x166: {  	[tilespmem:s22+$0xFFFFF930] =	vst v63  }
0x167: {  	[spmem:s2] =	stream.indirect.scatter.add.bf16 [tilespmem:s1], [sflag:$0x3], $0x10, s16, s14, $0xb8;
	[tilespmem:$0x1FA10] =	vst v63  }
0x168: {  	v4 =	vadd.f32 v5, v4;
	v3 =	vadd.f32 v6, v3;
	s24 =	sadd.s32 $0x1, s24;
	_ =	swait.ge [sflag:s29], $0x1C00  }
0x169: {  	p1 =	sne.s32 s24, $0x1C;
	[sflag:s29] =	ssyncset.done $0x0  }
.Ltmp5:
0x16a: {  	v4 =	vadd.f32 v7, v4;
	v3 =	vadd.f32 v8, v3;
	[sflag:s29] =	ssyncadd.s32 $0xFFFFE400;
	(pc) =	sbr.rel @p1 .LBB2_6-.Ltmp5, $4  }
0x16b: {  	[spmem:s3] =	stream.indirect.scatter.add.f32 [tilespmem:s28], [sflag:$0x3], $0x1, s16, s14, $0xb8;
	[tilespmem:$0x1FA10] =	vst v63  }
0x16c: {  	v5 =	vadd.f32 v10, v4;
	v3 =	vadd.f32 v9, v3;
	v4 =	vmin.bf16 v11, v2;
	_ =	swait.ge [sflag:s29], $0x1C0  }
0x16d: {  	v6 =	vunpack.i.u.bf16.f32 v4;
	v4 =	vunpack.i.l.bf16.f32 v4;
	[sflag:s29] =	ssyncset.done $0x0  }
0x16e: {  	v4 =	vadd.f32 v4, v3;
	v3 =	vadd.f32 v6, v5;
	[sflag:s29] =	ssyncadd.s32 $0xFFFFFE40  }
0x16f: {  	_ = 	snop  }
0x170: {  	[tilespmem:$0x1ED18] =	vst v4  }
0x171: {  	s0 =	simm.s32 $0x1ED38;
	s10 =	simm.s32 $0x20;
	s12 =	simm.s32 $0x1ED18;
	[tilespmem:$0x1ED28] =	vst v3  }
0x172: {  	[spmem:s3] =	stream.indirect.scatter.add.f32 [tilespmem:s12], [sflag:$0x3], $0x1, s0, s10, $0xb8;
	[tilespmem:$0x1FA10] =	vst v63  }
0x173: {  	_ =	swait.ge [sflag:s29], $0x20  }
0x174: {  	[sflag:s29] =	ssyncset.done $0x0  }
0x175: {  	[sflag:s29] =	ssyncadd.s32 $0xFFFFFFE0  }
0x176: {  	[bflag:$0x0] =	sbarrier.arrive $0xFFFF  }
0x177: {  	s31 =	rddreg [dreg:$0x13]  }
0x178: {  	[tilespmem:s12], [sflag:$0x3] =	stream.linear.gather [spmem:s31], $0x20, $0x38;
	[tilespmem:$0x1FA10] =	vst v63  }
0x179: {  	_ =	swait.ge [sflag:s29], $0x20  }
0x17a: {  	[sflag:s29] =	ssyncset.done $0x0  }
0x17b: {  	[sflag:s29] =	ssyncadd.s32 $0xFFFFFFE0  }
0x17c: {  	v3 =	vld [tilespmem:$0x1ED18]  }
0x17d: {  	v4 =	vld [tilespmem:$0x1ED28]  }
0x17e: {  	v5 =	vld [tilespmem:$0x1ECF8]  }
0x17f: {  	v6 =	vld [tilespmem:$0x1ED08];
	_ =	sdelay $0x1  }
0x180: {  	v3 =	vmul.f32 $9.999999740e-06, v3  }
0x181: {  	v4 =	vmul.f32 $9.999999740e-06, v4  }
0x182: {  	v3 =	vsub.f32 v5, v3  }
0x183: {  	v4 =	vsub.f32 v6, v4  }
0x184: {  	v5 =	vand.u32 $0x7FFFFFFF, v3  }
0x185: {  	v3 =	vmul.f32 $9.999999740e-06, v3;
	v6 =	vand.u32 $0x7FFFFFFF, v4;
	v4 =	vmul.f32 $9.999999740e-06, v4  }
0x186: {  	vm0 =	vgt.f32 v5, $1.000000050e-03;
	vm1 =	vgt.f32 v6, $1.000000050e-03  }
0x187: {  	s0 =	simm.s32 $0x0;
	s12 =	simm.s32 $0x0;
	v3 =	vnsel vm0, $0x0, v3;
	v4 =	vnsel vm1, $0x0, v4  }
.LBB2_12:
0x188: {  	s22 =	sshll.u32 s12, $0x4;
	s10 =	stileid.u32  }
0x189: {  	s22 =	sor.u32 s10, s22  }
0x18a: {  	s23 =	smul.u32 $0xA00, s22;
	_ =	sdelay $0x1  }
0x18b: {  	s23 =	sshra.s32 s23, $0x2  }
0x18c: {  	s24 =	sadd.s32 s23, s2;
	s23 =	simm.s32 $0x1ED58  }
0x18d: {  	[tilespmem:s23], [sflag:$0x3] =	stream.linear.gather [spmem:s24], $0x280, $0x38;
	[tilespmem:$0x1FA10] =	vst v63  }
0x18e: {  	s22 =	smul.u32 $0x28, s22;
	_ =	swait.ge [sflag:s29], $0x280  }
0x18f: {  	[sflag:s29] =	ssyncset.done $0x0  }
0x190: {  	s25 =	simm.s32 $0x1EFD8;
	s10 =	sadd.s32 s22, s3;
	[sflag:s29] =	ssyncadd.s32 $0xFFFFFD80  }
0x191: {  	[tilespmem:s25], [sflag:$0x3] =	stream.linear.gather [spmem:s10], $0x28, $0x38;
	[tilespmem:$0x1FA10] =	vst v63  }
0x192: {  	_ =	swait.ge [sflag:s29], $0x28  }
0x193: {  	[sflag:s29] =	ssyncset.done $0x0  }
0x194: {  	s22 =	sadd.s32 s11, s22;
	[sflag:s29] =	ssyncadd.s32 $0xFFFFFFD8  }
0x195: {  	s22 =	sshll.u32 s22, $0x2;
	s24 =	rddreg [dreg:$0x0]  }
0x196: {  	s10 =	sadd.s32 s24, s22  }
0x197: {  	[tilespmem:s21], [sflag:$0x3] =	stream.linear.gather [hbm4b:s10+s0], $0x500, $0x38;
	[tilespmem:$0x1FA10] =	vst v63  }
0x198: {  	_ =	swait.ge [sflag:s29], $0x500  }
0x199: {  	[sflag:s29] =	ssyncset.done $0x0  }
0x19a: {  	[sflag:s29] =	ssyncadd.s32 $0xFFFFFB00  }
0x19b: {  	v5 =	vld [tilespmem:s25+$0x0];
	_ =	sdelay $0x4  }
0x19c: {  	v5 =	vmax.f32 v5, $1.000000000e+00  }
0x19d: {  	v5 =	vbroadcast v5, $0x0;
	_ =	sdelay $0x1  }
0x19e: {  	(erf) = vrcp.f32 v5;
	_ =	sdelay $0x1  }
0x19f: {  	v5 =	vld [tilespmem:s23+$0x0];
	_ =	sdelay $0x3  }
0x1a0: {  	s25 =	simm.s32 $0x0  }
0x1a1: {  	v7 =	vld [tilespmem:s25+$0x1F020];
	v6 =	vunpack.i.u.bf16.f32 v5  }
0x1a2: {  	v8 =	vld [tilespmem:s25+$0x1F010];
	v5 =	vunpack.i.l.bf16.f32 v5;
	v6 =	vmul.f32 v6, v4  }
0x1a3: {  	v5 =	vmul.f32 v5, v3;
	v9 =	vpop (erf)  }
0x1a4: {  	v6 =	vmul.f32 v9, v6  }
0x1a5: {  	v5 =	vmul.f32 v5, v9  }
0x1a6: {  	v6 =	vadd.f32 v7, v6  }
0x1a7: {  	v5 =	vadd.f32 v5, v8  }
0x1a8: {  	v6 =	vmax.f32 v6, $0.0e+00  }
0x1a9: {  	v5 =	vmax.f32 v5, $0.0e+00;
	v6 =	vmin.f32 v6, $1.000000000e+00  }
0x1aa: {  	v5 =	vmin.f32 v5, $1.000000000e+00;
	[tilespmem:s25+$0x1F520] =	vst v6  }
0x1ab: {  	[tilespmem:s25+$0x1F510] =	vst v5;
	s25 =	simm.s32 $0x1EFD9  }
0x1ac: {  	s31 =	simm.s32 $0x100;
	s24 =	simm.s32 $0x80;
	v5 =	vld [tilespmem:s25+$0x0]  }
.LBB2_13:
0x1ad: {  	p1 =	sne.s32 s31, $0x1380;
	_ =	sdelay $0x3  }
0x1ae: {  	v5 =	vmax.f32 v5, $1.000000000e+00  }
0x1af: {  	v5 =	vbroadcast v5, $0x0;
	_ =	sdelay $0x1  }
0x1b0: {  	(erf) = vrcp.f32 v5  }
0x1b1: {  	s23 =	sadd.s32 $0x10, s23  }
0x1b2: {  	v5 =	vld [tilespmem:s23+$0x0];
	_ =	sdelay $0x2  }
0x1b3: {  	s10 =	sshra.s32 s24, $0x2;
	s24 =	smov.u32 s31  }
0x1b4: {  	v6 =	vld [tilespmem:s10+$0x1F010]  }
0x1b5: {  	v7 =	vunpack.i.u.bf16.f32 v5;
	v5 =	vunpack.i.l.bf16.f32 v5;
	v8 =	vld [tilespmem:s10+$0x1F020]  }
0x1b6: {  	v5 =	vmul.f32 v5, v3;
	v7 =	vmul.f32 v7, v4  }
0x1b7: {  	v9 =	vpop (erf)  }
0x1b8: {  	v5 =	vmul.f32 v5, v9;
	v7 =	vmul.f32 v9, v7;
	_ =	sdelay $0x1  }
0x1b9: {  	v5 =	vadd.f32 v5, v6;
	v6 =	vadd.f32 v8, v7;
	_ =	sdelay $0x1  }
.Ltmp6:
0x1ba: {  	v5 =	vmax.f32 v5, $0.0e+00;
	v6 =	vmax.f32 v6, $0.0e+00;
	(pc) =	sbr.rel @p1 .LBB2_13-.Ltmp6, $4  }
0x1bb: {  	v5 =	vmin.f32 v5, $1.000000000e+00;
	v6 =	vmin.f32 v6, $1.000000000e+00  }
0x1bc: {  	[tilespmem:s10+$0x1F520] =	vst v6  }
0x1bd: {  	s25 =	sadd.s32 $0x1, s25;
	[tilespmem:s10+$0x1F510] =	vst v5  }
0x1be: {  	s31 =	sadd.s32 $0x80, s31;
	v5 =	vld [tilespmem:s25+$0x0]  }
0x1bf: {  	_ =	sdelay $0x3  }
0x1c0: {  	v5 =	vmax.f32 v5, $1.000000000e+00  }
0x1c1: {  	v5 =	vbroadcast v5, $0x0;
	_ =	sdelay $0x1  }
0x1c2: {  	(erf) = vrcp.f32 v5  }
0x1c3: {  	s10 =	sadd.s32 $0x10, s23  }
0x1c4: {  	v5 =	vld [tilespmem:s10+$0x0];
	_ =	sdelay $0x3  }
0x1c5: {  	s25 =	sshra.s32 s24, $0x2  }
0x1c6: {  	v7 =	vld [tilespmem:s25+$0x1F020];
	v6 =	vunpack.i.u.bf16.f32 v5  }
0x1c7: {  	v8 =	vld [tilespmem:s25+$0x1F010];
	v5 =	vunpack.i.l.bf16.f32 v5;
	v6 =	vmul.f32 v6, v4  }
0x1c8: {  	v5 =	vmul.f32 v5, v3;
	v9 =	vpop (erf)  }
0x1c9: {  	v6 =	vmul.f32 v9, v6  }
0x1ca: {  	v5 =	vmul.f32 v5, v9  }
0x1cb: {  	v6 =	vadd.f32 v7, v6  }
0x1cc: {  	v5 =	vadd.f32 v5, v8  }
0x1cd: {  	v6 =	vmax.f32 v6, $0.0e+00  }
0x1ce: {  	s12 =	sadd.s32 $0x1, s12;
	v5 =	vmax.f32 v5, $0.0e+00;
	v6 =	vmin.f32 v6, $1.000000000e+00  }
0x1cf: {  	p1 =	sne.s32 s12, s19;
	v5 =	vmin.f32 v5, $1.000000000e+00;
	[tilespmem:s25+$0x1F520] =	vst v6  }
.Ltmp7:
0x1d0: {  	s31 =	sadd.s32 s9, s22;
	[tilespmem:s25+$0x1F510] =	vst v5;
	(pc) =	sbr.rel @p1 .LBB2_12-.Ltmp7, $4  }
0x1d1: {  	[hbm4b:s31+s5] =	stream.linear.scatter [tilespmem:s26], [sflag:$0x3], $0x500, $0x38;
	[tilespmem:$0x1FA10] =	vst v63  }
0x1d2: {  	_ =	swait.ge [sflag:s29], $0x500  }
0x1d3: {  	[sflag:s29] =	ssyncset.done $0x0  }
0x1d4: {  	[sflag:s29] =	ssyncadd.s32 $0xFFFFFB00  }
0x1d5: {  	s10 =	rddreg [dreg:$0x14]  }
0x1d6: {  	s0 =	rddreg [dreg:$0xe];
	s10 =	sadd.s32 $0x1, s10  }
0x1d7: {  	p1 =	sne.s32 s10, s0  }
.Ltmp8:
0x1d8: {  	_ = 	snop;
	(pc) =	sbr.rel @p1 .LBB2_1-.Ltmp8, $1  }
0x1d9: {  	_ =	sdelay $0x3  }
0x1da: {  	_ =	sfence.sel $0x180000  }
0x1db: {  	[bflag:$0x0] =	sbarrier.arrive $0xFFFF  }
0x1dc: {  	_ =	strace $0x90000047  }
0x1dd: {  	[bflag:$0x2] =	sbarrier.arrive $0xFFFF  }
0x1de: {  	s0 =	rddreg [dreg:$0x5]  }
0x1df: {  	s0 =	sadd.s32 @!p0 $0x100000, s0  }
0x1e0: {  	[sflag:s0] =	ssyncadd.tile.s32 @!p0 $0x1;
	_ =	shalt  }
.Lfunc_end2:
_tile_overlayer_lowered:
.L_overlay_start_2:
0x1e1: {  	(tag) =	ssettag $0x2  }
0x1e2: {  	s0 =	rddreg [dreg:$0x0];
	s2 =	stileid.u32  }
0x1e3: {  	s1 =	rddreg [dreg:$0x1];
	p0 =	sne.s32 s2, $0x0  }
0x1e4: {  	s3 =	rddreg [dreg:$0x2];
	[bflag:$0x3] =	sbarrier.arrive $0xFFFF;
	s2 =	simm.s32 @!p0 $0x1C03  }
0x1e5: {  	[timem:s3], [sflag:s2] =	dma.local @!p0 [hbm:s0], s1  }
0x1e6: {  	s0 =	simm.s32 @!p0 $0x3  }
0x1e7: {  	_ =	swait.ge @!p0 [sflag:s0], s1  }
0x1e8: {  	s1 =	ssub.s32 @!p0 $0x0, s1;
	[sflag:s0] =	ssyncset.done @!p0 $0x0  }
0x1e9: {  	[sflag:s0] =	ssyncadd.s32 @!p0 s1  }
0x1ea: {  	[bflag:$0x3] =	sbarrier.arrive $0xFFFF  }
0x1eb: {  	_ =	shalt  }

</sc_bundles>
